<compile_context>
chip_gen: v7x
topology: tpu7x:2x2x1
jax: 0.10.2.dev20260603
libtpu: 0.0.44.dev20260713+nightly
codegen_flags: <defaults>
</compile_context>

<pallas_src>
import functools

import jax
import jax.numpy as jnp
from jax import lax
from jax.experimental import pallas as pl
from jax.experimental.pallas import tpu as pltpu
from jax.experimental.pallas import tpu_sc as plsc

N = 10000
D = 128
E = 320000

NC = 2
NS = 16
NW = NC * NS

NPAD = 10240
B = 128
EPW = 10112
EPAD = EPW * NW
NB = EPW // B
RPT = NPAD // NS

_mesh = plsc.VectorSubcoreMesh(core_axis_name="c", subcore_axis_name="s")


@functools.partial(
    pl.kernel,
    out_type=jax.ShapeDtypeStruct((NC, NPAD), jnp.float32),
    mesh=_mesh,
    scratch_types=[
        pltpu.VMEM((B,), jnp.int32),
        pltpu.VMEM((B,), jnp.int32),
        pltpu.VMEM((B,), jnp.float32),
        pltpu.SemaphoreType.DMA,
        pltpu.SemaphoreType.DMA,
        pltpu.VMEM_SHARED((NPAD,), jnp.float32),
    ],
)
def _deg_kernel(dst_hbm, zeros1_hbm, parts_hbm, idx0_v, idx1_v, ones_v,
                semi0, semi1, acc_sh):
    c = lax.axis_index("c")
    s = lax.axis_index("s")
    w = s * NC + c

    for j in range(B // 16):
        ones_v[pl.ds(j * 16, 16)] = jnp.ones((16,), jnp.float32)

    pltpu.sync_copy(zeros1_hbm.at[pl.ds(s * RPT, RPT)],
                    acc_sh.at[pl.ds(s * RPT, RPT)])
    plsc.subcore_barrier()

    def load(b, idx, sem):
        return pltpu.make_async_copy(
            dst_hbm.at[pl.ds(w * EPW + b * B, B)], idx, sem)

    load(0, idx0_v, semi0).start()

    def step(i, carry):
        b0 = 2 * i
        b1 = 2 * i + 1
        load(b1, idx1_v, semi1).start()
        load(b0, idx0_v, semi0).wait()
        pltpu.sync_copy(ones_v, acc_sh.at[idx0_v], add=True)

        @pl.when(i < NB // 2 - 1)
        def _():
            load(b1 + 1, idx0_v, semi0).start()

        load(b1, idx1_v, semi1).wait()
        pltpu.sync_copy(ones_v, acc_sh.at[idx1_v], add=True)
        return carry

    lax.fori_loop(0, NB // 2, step, 0)

    if NB % 2 == 1:
        load(NB - 1, idx0_v, semi0).start()
        load(NB - 1, idx0_v, semi0).wait()
        pltpu.sync_copy(ones_v, acc_sh.at[idx0_v], add=True)

    plsc.subcore_barrier()
    pltpu.sync_copy(acc_sh.at[pl.ds(s * RPT, RPT)],
                    parts_hbm.at[c, pl.ds(s * RPT, RPT)])


@functools.partial(
    pl.kernel,
    out_type=jax.ShapeDtypeStruct((NC, NPAD, D), jnp.float32),
    mesh=_mesh,
    scratch_types=[
        pltpu.VMEM((B,), jnp.int32),
        pltpu.VMEM((B,), jnp.int32),
        pltpu.VMEM((B,), jnp.int32),
        pltpu.VMEM((B,), jnp.int32),
        pltpu.VMEM((B, D), jnp.float32),
        pltpu.VMEM((B, D), jnp.float32),
        pltpu.SemaphoreType.DMA,
        pltpu.SemaphoreType.DMA,
        pltpu.SemaphoreType.DMA,
        pltpu.SemaphoreType.DMA,
        pltpu.VMEM_SHARED((NPAD, D), jnp.float32),
    ],
)
def _agg_kernel(hp_hbm, src_hbm, dst_hbm, zeros2_hbm, parts_hbm,
                idxs0_v, idxs1_v, idxd0_v, idxd1_v,
                rows0_v, rows1_v, sem0, sem1, semi0, semi1, acc_sh):
    c = lax.axis_index("c")
    s = lax.axis_index("s")
    w = s * NC + c

    pltpu.sync_copy(zeros2_hbm.at[pl.ds(s * RPT, RPT)],
                    acc_sh.at[pl.ds(s * RPT, RPT)])
    plsc.subcore_barrier()

    def load_src(b, idxs, semi):
        return pltpu.make_async_copy(
            src_hbm.at[pl.ds(w * EPW + b * B, B)], idxs, semi)

    def load_dst(b, idxd):
        pltpu.sync_copy(dst_hbm.at[pl.ds(w * EPW + b * B, B)], idxd)

    def gather0():
        return pltpu.make_async_copy(hp_hbm.at[idxs0_v], rows0_v, sem0)

    def gather1():
        return pltpu.make_async_copy(hp_hbm.at[idxs1_v], rows1_v, sem1)

    load_src(0, idxs0_v, semi0).start()
    load_src(0, idxs0_v, semi0).wait()
    load_dst(0, idxd0_v)
    gather0().start()
    load_src(1, idxs1_v, semi1).start()

    def step(i, carry):
        b1 = 2 * i + 1
        load_src(b1, idxs1_v, semi1).wait()
        load_dst(b1, idxd1_v)
        gather1().start()
        gather0().wait()

        @pl.when(i < NB // 2 - 1)
        def _():
            load_src(b1 + 1, idxs0_v, semi0).start()

        pltpu.sync_copy(rows0_v, acc_sh.at[idxd0_v], add=True)

        @pl.when(i < NB // 2 - 1)
        def _():
            load_src(b1 + 1, idxs0_v, semi0).wait()
            load_dst(b1 + 1, idxd0_v)
            gather0().start()

        gather1().wait()

        @pl.when(i < NB // 2 - 1)
        def _():
            load_src(b1 + 2, idxs1_v, semi1).start()

        pltpu.sync_copy(rows1_v, acc_sh.at[idxd1_v], add=True)
        return carry

    lax.fori_loop(0, NB // 2, step, 0)

    if NB % 2 == 1:
        load_src(NB - 1, idxs0_v, semi0).start()
        load_src(NB - 1, idxs0_v, semi0).wait()
        load_dst(NB - 1, idxd0_v)
        gather0().start()
        gather0().wait()
        pltpu.sync_copy(rows0_v, acc_sh.at[idxd0_v], add=True)

    plsc.subcore_barrier()
    pltpu.sync_copy(acc_sh.at[pl.ds(s * RPT, RPT)],
                    parts_hbm.at[c, pl.ds(s * RPT, RPT)])


_TCR = 512
_TCG = NPAD // _TCR


def _mm_body(x_ref, w_ref, p0_ref, p1_ref, o_ref):
    dinv = lax.rsqrt(1.0 + p0_ref[...] + p1_ref[...])
    o_ref[...] = jnp.dot(x_ref[...], w_ref[...],
                         preferred_element_type=jnp.float32) * dinv


def _mm(x, w, p0, p1):
    return pl.pallas_call(
        _mm_body,
        grid=(_TCG,),
        in_specs=[
            pl.BlockSpec((_TCR, D), lambda i: (i, 0)),
            pl.BlockSpec((D, D), lambda i: (0, 0)),
            pl.BlockSpec((_TCR, 1), lambda i: (i, 0)),
            pl.BlockSpec((_TCR, 1), lambda i: (i, 0)),
        ],
        out_specs=pl.BlockSpec((_TCR, D), lambda i: (i, 0)),
        out_shape=jax.ShapeDtypeStruct((NPAD, D), jnp.float32),
    )(x, w, p0, p1)


def _comb_body(a0_ref, a1_ref, hp_ref, p0_ref, p1_ref, b_ref, g_ref, be_ref,
               o_ref):
    dinv = lax.rsqrt(1.0 + p0_ref[...] + p1_ref[...])
    t = (a0_ref[...] + a1_ref[...] + hp_ref[...]) * dinv + b_ref[...]
    mu = jnp.mean(t, axis=-1, keepdims=True)
    dev = t - mu
    var = jnp.mean(dev * dev, axis=-1, keepdims=True)
    y = g_ref[...] * dev * lax.rsqrt(var + 1e-5) + be_ref[...]
    o_ref[...] = 0.5 * y * (1.0 + lax.erf(y * 0.7071067811865476))


def _comb(a0, a1, hp, p0, p1, b, g, be):
    return pl.pallas_call(
        _comb_body,
        grid=(_TCG,),
        in_specs=[
            pl.BlockSpec((_TCR, D), lambda i: (i, 0)),
            pl.BlockSpec((_TCR, D), lambda i: (i, 0)),
            pl.BlockSpec((_TCR, D), lambda i: (i, 0)),
            pl.BlockSpec((_TCR, 1), lambda i: (i, 0)),
            pl.BlockSpec((_TCR, 1), lambda i: (i, 0)),
            pl.BlockSpec((1, D), lambda i: (0, 0)),
            pl.BlockSpec((1, D), lambda i: (0, 0)),
            pl.BlockSpec((1, D), lambda i: (0, 0)),
        ],
        out_specs=pl.BlockSpec((_TCR, D), lambda i: (i, 0)),
        out_shape=jax.ShapeDtypeStruct((NPAD, D), jnp.float32),
    )(a0, a1, hp, p0, p1, b, g, be)


@jax.jit
def kernel(x, edge_index, W1, b1, g1, be1, W2, b2, g2, be2):
    f32 = jnp.float32
    xp = jnp.pad(x, ((0, NPAD - N), (0, 0)))
    pad = jnp.full((EPAD - E,), NPAD - 1, dtype=jnp.int32)
    srcp = jnp.concatenate([edge_index[0], pad])
    dstp = jnp.concatenate([edge_index[1], pad])
    zeros1 = jnp.zeros((NPAD,), f32)
    zeros2 = jnp.zeros((NPAD, D), f32)

    degp = _deg_kernel(dstp, zeros1)
    p0 = degp[0].reshape(NPAD, 1)
    p1 = degp[1].reshape(NPAD, 1)

    b1r = b1.reshape(1, D)
    g1r = g1.reshape(1, D)
    be1r = be1.reshape(1, D)
    b2r = b2.reshape(1, D)
    g2r = g2.reshape(1, D)
    be2r = be2.reshape(1, D)

    hp1 = _mm(xp, W1, p0, p1)
    agg1 = _agg_kernel(hp1, srcp, dstp, zeros2)
    x2 = _comb(agg1[0], agg1[1], hp1, p0, p1, b1r, g1r, be1r)

    hp2 = _mm(x2, W2, p0, p1)
    agg2 = _agg_kernel(hp2, srcp, dstp, zeros2)
    out = _comb(agg2[0], agg2[1], hp2, p0, p1, b2r, g2r, be2r)

    return out[:N]

# --- scband reference (transcript-rebuilt; emitter-appended) ---
"""Pipeline reference for scband-segment-encoder-48198122996212 (READ-ONLY COPY).

The authoritative reference and input builder live on the scoring server;
editing this copy changes nothing except your own understanding.
"""

import jax, jax.numpy as jnp
import numpy as np

N = 10000
D = 128
E = 320000


def gcn_layer(x, edge_index, W, b):
    n = x.shape[0]
    loop = jnp.arange(n, dtype=edge_index.dtype)
    src = jnp.concatenate([edge_index[0], loop])
    dst = jnp.concatenate([edge_index[1], loop])
    h = x @ W
    deg = jnp.zeros((n,), dtype=x.dtype).at[dst].add(1.0)
    dinv = jnp.where(deg > 0, jax.lax.rsqrt(jnp.maximum(deg, 1e-12)), 0.0)
    norm = dinv[src] * dinv[dst]
    msg = h[src] * norm[:, None]
    out = jnp.zeros_like(h).at[dst].add(msg)
    return out + b


def layer_norm(h, g, b, eps=1e-5):
    mu = jnp.mean(h, axis=-1, keepdims=True)
    var = jnp.var(h, axis=-1, keepdims=True)
    return g * (h - mu) / jnp.sqrt(var + eps) + b


def setup_inputs(seed: int = 0):
    key = jax.random.key(seed)
    ks = jax.random.split(key, 4)
    x = jax.random.normal(ks[0], (N, D), dtype=jnp.float32)
    edge_index = jax.random.randint(ks[1], (2, E), 0, N, dtype=jnp.int32)
    s = 1.0 / np.sqrt(D)
    W1 = jax.random.uniform(ks[2], (D, D), jnp.float32, -s, s)
    W2 = jax.random.uniform(ks[3], (D, D), jnp.float32, -s, s)
    b1 = jnp.zeros((D,), jnp.float32)
    b2 = jnp.zeros((D,), jnp.float32)
    g1 = jnp.ones((D,), jnp.float32)
    be1 = jnp.zeros((D,), jnp.float32)
    g2 = jnp.ones((D,), jnp.float32)
    be2 = jnp.zeros((D,), jnp.float32)
    return {"x": x, "edge_index": edge_index, "W1": W1, "b1": b1, "g1": g1, "be1": be1, "W2": W2, "b2": b2, "g2": g2, "be2": be2}


def reference(x, edge_index, W1, b1, g1, be1, W2, b2, g2, be2):
    h = gcn_layer(x, edge_index, W1, b1)
    h = jax.nn.gelu(layer_norm(h, g1, be1), approximate=False)
    h = gcn_layer(h, edge_index, W2, b2)
    h = jax.nn.gelu(layer_norm(h, g2, be2), approximate=False)
    return h

if __name__ == "__main__":
    import jax
    _d = setup_inputs()
    print(jax.jit(kernel)(*tuple(_d.values())))

</pallas_src>

<mosaic_0001>
#map = affine_map<(d0, d1) -> (0, 0)>
#map1 = affine_map<(d0, d1) -> (0)>
#map2 = affine_map<(d0, d1) -> (0, 0, 0)>
module attributes {stable_mosaic.version = 14 : i64} {
  func.func @_agg_kernel(%arg0: i32, %arg1: i32, %arg2: memref<10240x128xf32, #tpu.memory_space<hbm>>, %arg3: memref<323584xi32, #tpu.memory_space<hbm>>, %arg4: memref<323584xi32, #tpu.memory_space<hbm>>, %arg5: memref<10240x128xf32, #tpu.memory_space<hbm>>, %arg6: memref<2x10240x128xf32, #tpu.memory_space<hbm>>, %arg7: memref<128xi32, #tpu.memory_space<vmem>>, %arg8: memref<128xi32, #tpu.memory_space<vmem>>, %arg9: memref<128xi32, #tpu.memory_space<vmem>>, %arg10: memref<128xi32, #tpu.memory_space<vmem>>, %arg11: memref<128x128xf32, #tpu.memory_space<vmem>>, %arg12: memref<128x128xf32, #tpu.memory_space<vmem>>, %arg13: memref<!tpu.dma_semaphore, #tpu.memory_space<semaphore_mem>>, %arg14: memref<!tpu.dma_semaphore, #tpu.memory_space<semaphore_mem>>, %arg15: memref<!tpu.dma_semaphore, #tpu.memory_space<semaphore_mem>>, %arg16: memref<!tpu.dma_semaphore, #tpu.memory_space<semaphore_mem>>, %arg17: memref<10240x128xf32, #tpu.memory_space<vmem_shared>>) attributes {dimension_semantics = [#tpu.dimension_semantics<core_parallel>, #tpu.dimension_semantics<subcore_parallel>], iteration_bounds = array<i64: 2, 16>, scalar_prefetch = 0 : i64, scratch_operands = 11 : i64, tpu.core_type = #tpu.core_type<sc_vector_subcore>, window_params = [{transform_indices = #map}, {transform_indices = #map1}, {transform_indices = #map1}, {transform_indices = #map}, {transform_indices = #map2}]} {
    %mul3A = arith.constant 2 : i32
    %mul3A_0 = arith.muli %arg1, %mul3A : i32
    %add3A = arith.addi %mul3A_0, %arg0 : i32
    %mul3A_1 = arith.constant 640 : i32
    %mul3A_2 = arith.muli %arg1, %mul3A_1 : i32
    %mul3A_3 = arith.constant 640 : i32
    %mul3A_4 = arith.muli %arg1, %mul3A_3 : i32
    "tpu.region"() ({
      %run_scoped3A = tpu.sem_alloc : memref<!tpu.dma_semaphore, #tpu.memory_space<semaphore_mem>>
      %dma_start3A_60 = arith.constant 0 : i32
      %dma_start3A_61 = tpu.memref_slice %arg17[%mul3A_4, %dma_start3A_60] : memref<10240x128xf32, #tpu.memory_space<vmem_shared>> -> memref<640x128xf32, #tpu.memory_space<vmem_shared>>
      %dma_start3A_62 = arith.constant 0 : i32
      %dma_start3A_63 = tpu.memref_slice %arg5[%mul3A_2, %dma_start3A_62] : memref<10240x128xf32, #tpu.memory_space<hbm>> -> memref<640x128xf32, #tpu.memory_space<hbm>>
      tpu.enqueue_dma source(%dma_start3A_63 : memref<640x128xf32, #tpu.memory_space<hbm>>) target(%dma_start3A_61 : memref<640x128xf32, #tpu.memory_space<vmem_shared>>) target_semaphore(%run_scoped3A : memref<!tpu.dma_semaphore, #tpu.memory_space<semaphore_mem>>)
      %dma_wait3A_64 = arith.constant 0 : i32
      %dma_wait3A_65 = tpu.memref_slice %arg17[%mul3A_4, %dma_wait3A_64] : memref<10240x128xf32, #tpu.memory_space<vmem_shared>> -> memref<640x128xf32, #tpu.memory_space<vmem_shared>>
      %dma_wait3A_66 = arith.constant 0 : i32
      %dma_wait3A_67 = tpu.memref_slice %arg5[%mul3A_2, %dma_wait3A_66] : memref<10240x128xf32, #tpu.memory_space<hbm>> -> memref<640x128xf32, #tpu.memory_space<hbm>>
      tpu.wait_dma2 semaphore(%run_scoped3A : memref<!tpu.dma_semaphore, #tpu.memory_space<semaphore_mem>>) src(%dma_wait3A_67 : memref<640x128xf32, #tpu.memory_space<hbm>>) dst(%dma_wait3A_65 : memref<640x128xf32, #tpu.memory_space<vmem_shared>>)
      tpu.yield
    }) : () -> ()
    %barrier3A = arith.constant 0 : index
    tpu.barrier barrier_id(%barrier3A)
    %mul3A_5 = arith.constant 10112 : i32
    %mul3A_6 = arith.muli %add3A, %mul3A_5 : i32
    %add3A_7 = arith.constant 0 : i32
    %add3A_8 = arith.addi %mul3A_6, %add3A_7 : i32
    %dma_start3A = tpu.memref_slice %arg3[%add3A_8] : memref<323584xi32, #tpu.memory_space<hbm>> -> memref<128xi32, #tpu.memory_space<hbm>>
    %dma_start3A_9 = tpu.memref_slice %arg3[%add3A_8] : memref<323584xi32, #tpu.memory_space<hbm>> -> memref<128xi32, #tpu.memory_space<hbm>>
    tpu.enqueue_dma source(%dma_start3A_9 : memref<128xi32, #tpu.memory_space<hbm>>) target(%arg7 : memref<128xi32, #tpu.memory_space<vmem>>) target_semaphore(%arg15 : memref<!tpu.dma_semaphore, #tpu.memory_space<semaphore_mem>>)
    %mul3A_10 = arith.constant 10112 : i32
    %mul3A_11 = arith.muli %add3A, %mul3A_10 : i32
    %add3A_12 = arith.constant 0 : i32
    %add3A_13 = arith.addi %mul3A_11, %add3A_12 : i32
    %dma_wait3A = tpu.memref_slice %arg3[%add3A_13] : memref<323584xi32, #tpu.memory_space<hbm>> -> memref<128xi32, #tpu.memory_space<hbm>>
    %dma_wait3A_14 = tpu.memref_slice %arg3[%add3A_13] : memref<323584xi32, #tpu.memory_space<hbm>> -> memref<128xi32, #tpu.memory_space<hbm>>
    tpu.wait_dma2 semaphore(%arg15 : memref<!tpu.dma_semaphore, #tpu.memory_space<semaphore_mem>>) src(%dma_wait3A_14 : memref<128xi32, #tpu.memory_space<hbm>>) dst(%arg7 : memref<128xi32, #tpu.memory_space<vmem>>)
    %mul3A_15 = arith.constant 10112 : i32
    %mul3A_16 = arith.muli %add3A, %mul3A_15 : i32
    %add3A_17 = arith.constant 0 : i32
    %add3A_18 = arith.addi %mul3A_16, %add3A_17 : i32
    "tpu.region"() ({
      %run_scoped3A = tpu.sem_alloc : memref<!tpu.dma_semaphore, #tpu.memory_space<semaphore_mem>>
      %dma_start3A_60 = tpu.memref_slice %arg4[%add3A_18] : memref<323584xi32, #tpu.memory_space<hbm>> -> memref<128xi32, #tpu.memory_space<hbm>>
      %dma_start3A_61 = tpu.memref_slice %arg4[%add3A_18] : memref<323584xi32, #tpu.memory_space<hbm>> -> memref<128xi32, #tpu.memory_space<hbm>>
      tpu.enqueue_dma source(%dma_start3A_61 : memref<128xi32, #tpu.memory_space<hbm>>) target(%arg9 : memref<128xi32, #tpu.memory_space<vmem>>) target_semaphore(%run_scoped3A : memref<!tpu.dma_semaphore, #tpu.memory_space<semaphore_mem>>)
      %dma_wait3A_62 = tpu.memref_slice %arg4[%add3A_18] : memref<323584xi32, #tpu.memory_space<hbm>> -> memref<128xi32, #tpu.memory_space<hbm>>
      %dma_wait3A_63 = tpu.memref_slice %arg4[%add3A_18] : memref<323584xi32, #tpu.memory_space<hbm>> -> memref<128xi32, #tpu.memory_space<hbm>>
      tpu.wait_dma2 semaphore(%run_scoped3A : memref<!tpu.dma_semaphore, #tpu.memory_space<semaphore_mem>>) src(%dma_wait3A_63 : memref<128xi32, #tpu.memory_space<hbm>>) dst(%arg9 : memref<128xi32, #tpu.memory_space<vmem>>)
      tpu.yield
    }) : () -> ()
    %dma_start3A_19 = arith.constant 0 : i32
    %dma_start3A_20 = arith.constant 0 : i32
    %dma_start3A_21 = tpu.memref_slice %arg2[%dma_start3A_19, %dma_start3A_20] : memref<10240x128xf32, #tpu.memory_space<hbm>> -> memref<10240x128xf32, #tpu.memory_space<hbm>>
    tpu.enqueue_indirect_dma source(%dma_start3A_21 : memref<10240x128xf32, #tpu.memory_space<hbm>>) target(%arg11 : memref<128x128xf32, #tpu.memory_space<vmem>>) offsets(%arg7 : memref<128xi32, #tpu.memory_space<vmem>>) semaphore(%arg13 : memref<!tpu.dma_semaphore, #tpu.memory_space<semaphore_mem>>)
    %mul3A_22 = arith.constant 10112 : i32
    %mul3A_23 = arith.muli %add3A, %mul3A_22 : i32
    %add3A_24 = arith.constant 128 : i32
    %add3A_25 = arith.addi %mul3A_23, %add3A_24 : i32
    %dma_start3A_26 = tpu.memref_slice %arg3[%add3A_25] : memref<323584xi32, #tpu.memory_space<hbm>> -> memref<128xi32, #tpu.memory_space<hbm>>
    %dma_start3A_27 = tpu.memref_slice %arg3[%add3A_25] : memref<323584xi32, #tpu.memory_space<hbm>> -> memref<128xi32, #tpu.memory_space<hbm>>
    tpu.enqueue_dma source(%dma_start3A_27 : memref<128xi32, #tpu.memory_space<hbm>>) target(%arg8 : memref<128xi32, #tpu.memory_space<vmem>>) target_semaphore(%arg16 : memref<!tpu.dma_semaphore, #tpu.memory_space<semaphore_mem>>)
    %scan3A = arith.constant 0 : i32
    %scan3A_28 = arith.constant 0 : i32
    %scan3A_29 = arith.constant 39 : i32
    %scan3A_30 = arith.addi %scan3A_28, %scan3A_29 : i32
    %scan3A_31 = arith.constant 1 : i32
    scf.for %scan3A_60 = %scan3A_28 to %scan3A_30 step %scan3A_31  : i32 {
      %mul3A_61 = arith.constant 2 : i32
      %mul3A_62 = arith.muli %mul3A_61, %scan3A_60 : i32
      %add3A_63 = arith.constant 1 : i32
      %add3A_64 = arith.addi %mul3A_62, %add3A_63 : i32
      %mul3A_65 = arith.constant 10112 : i32
      %mul3A_66 = arith.muli %add3A, %mul3A_65 : i32
      %mul3A_67 = arith.constant 128 : i32
      %mul3A_68 = arith.muli %add3A_64, %mul3A_67 : i32
      %add3A_69 = arith.addi %mul3A_66, %mul3A_68 : i32
      %dma_wait3A_70 = tpu.memref_slice %arg3[%add3A_69] : memref<323584xi32, #tpu.memory_space<hbm>> -> memref<128xi32, #tpu.memory_space<hbm>>
      %dma_wait3A_71 = tpu.memref_slice %arg3[%add3A_69] : memref<323584xi32, #tpu.memory_space<hbm>> -> memref<128xi32, #tpu.memory_space<hbm>>
      tpu.wait_dma2 semaphore(%arg16 : memref<!tpu.dma_semaphore, #tpu.memory_space<semaphore_mem>>) src(%dma_wait3A_71 : memref<128xi32, #tpu.memory_space<hbm>>) dst(%arg8 : memref<128xi32, #tpu.memory_space<vmem>>)
      %mul3A_72 = arith.constant 10112 : i32
      %mul3A_73 = arith.muli %add3A, %mul3A_72 : i32
      %mul3A_74 = arith.constant 128 : i32
      %mul3A_75 = arith.muli %add3A_64, %mul3A_74 : i32
      %add3A_76 = arith.addi %mul3A_73, %mul3A_75 : i32
      "tpu.region"() ({
        %run_scoped3A = tpu.sem_alloc : memref<!tpu.dma_semaphore, #tpu.memory_space<semaphore_mem>>
        %dma_start3A_98 = tpu.memref_slice %arg4[%add3A_76] : memref<323584xi32, #tpu.memory_space<hbm>> -> memref<128xi32, #tpu.memory_space<hbm>>
        %dma_start3A_99 = tpu.memref_slice %arg4[%add3A_76] : memref<323584xi32, #tpu.memory_space<hbm>> -> memref<128xi32, #tpu.memory_space<hbm>>
        tpu.enqueue_dma source(%dma_start3A_99 : memref<128xi32, #tpu.memory_space<hbm>>) target(%arg10 : memref<128xi32, #tpu.memory_space<vmem>>) target_semaphore(%run_scoped3A : memref<!tpu.dma_semaphore, #tpu.memory_space<semaphore_mem>>)
        %dma_wait3A_100 = tpu.memref_slice %arg4[%add3A_76] : memref<323584xi32, #tpu.memory_space<hbm>> -> memref<128xi32, #tpu.memory_space<hbm>>
        %dma_wait3A_101 = tpu.memref_slice %arg4[%add3A_76] : memref<323584xi32, #tpu.memory_space<hbm>> -> memref<128xi32, #tpu.memory_space<hbm>>
        tpu.wait_dma2 semaphore(%run_scoped3A : memref<!tpu.dma_semaphore, #tpu.memory_space<semaphore_mem>>) src(%dma_wait3A_101 : memref<128xi32, #tpu.memory_space<hbm>>) dst(%arg10 : memref<128xi32, #tpu.memory_space<vmem>>)
        tpu.yield
      }) : () -> ()
      %dma_start3A_77 = arith.constant 0 : i32
      %dma_start3A_78 = arith.constant 0 : i32
      %dma_start3A_79 = tpu.memref_slice %arg2[%dma_start3A_77, %dma_start3A_78] : memref<10240x128xf32, #tpu.memory_space<hbm>> -> memref<10240x128xf32, #tpu.memory_space<hbm>>
      tpu.enqueue_indirect_dma source(%dma_start3A_79 : memref<10240x128xf32, #tpu.memory_space<hbm>>) target(%arg12 : memref<128x128xf32, #tpu.memory_space<vmem>>) offsets(%arg8 : memref<128xi32, #tpu.memory_space<vmem>>) semaphore(%arg14 : memref<!tpu.dma_semaphore, #tpu.memory_space<semaphore_mem>>)
      %dma_wait3A_80 = arith.constant 0 : i32
      %dma_wait3A_81 = arith.constant 0 : i32
      %dma_wait3A_82 = tpu.memref_slice %arg2[%dma_wait3A_80, %dma_wait3A_81] : memref<10240x128xf32, #tpu.memory_space<hbm>> -> memref<10240x128xf32, #tpu.memory_space<hbm>>
      tpu.wait_indirect_dma semaphore(%arg13 : memref<!tpu.dma_semaphore, #tpu.memory_space<semaphore_mem>>) src(%dma_wait3A_82 : memref<10240x128xf32, #tpu.memory_space<hbm>>) dst(%arg11 : memref<128x128xf32, #tpu.memory_space<vmem>>)
      %lt3A = arith.constant 38 : i32
      %lt3A_83 = arith.cmpi slt, %scan3A_60, %lt3A : i32
      %convert_element_type3A = arith.extui %lt3A_83 : i1 to i32
      %cond3A = arith.constant 0 : i32
      %cond3A_84 = arith.cmpi ne, %convert_element_type3A, %cond3A : i32
      scf.if %cond3A_84 {
        %add3A_98 = arith.constant 1 : i32
        %add3A_99 = arith.addi %add3A_64, %add3A_98 : i32
        %mul3A_100 = arith.constant 10112 : i32
        %mul3A_101 = arith.muli %add3A, %mul3A_100 : i32
        %mul3A_102 = arith.constant 128 : i32
        %mul3A_103 = arith.muli %add3A_99, %mul3A_102 : i32
        %add3A_104 = arith.addi %mul3A_101, %mul3A_103 : i32
        %dma_start3A_105 = tpu.memref_slice %arg3[%add3A_104] : memref<323584xi32, #tpu.memory_space<hbm>> -> memref<128xi32, #tpu.memory_space<hbm>>
        %dma_start3A_106 = tpu.memref_slice %arg3[%add3A_104] : memref<323584xi32, #tpu.memory_space<hbm>> -> memref<128xi32, #tpu.memory_space<hbm>>
        tpu.enqueue_dma source(%dma_start3A_106 : memref<128xi32, #tpu.memory_space<hbm>>) target(%arg7 : memref<128xi32, #tpu.memory_space<vmem>>) target_semaphore(%arg15 : memref<!tpu.dma_semaphore, #tpu.memory_space<semaphore_mem>>)
      } else {
      }
      "tpu.region"() ({
        %run_scoped3A = tpu.sem_alloc : memref<!tpu.dma_semaphore, #tpu.memory_space<semaphore_mem>>
        %dma_start3A_98 = arith.constant 0 : i32
        %dma_start3A_99 = arith.constant 0 : i32
        %dma_start3A_100 = tpu.memref_slice %arg17[%dma_start3A_98, %dma_start3A_99] : memref<10240x128xf32, #tpu.memory_space<vmem_shared>> -> memref<10240x128xf32, #tpu.memory_space<vmem_shared>>
        tpu.enqueue_indirect_dma source(%arg11 : memref<128x128xf32, #tpu.memory_space<vmem>>) target(%dma_start3A_100 : memref<10240x128xf32, #tpu.memory_space<vmem_shared>>) offsets(%arg9 : memref<128xi32, #tpu.memory_space<vmem>>) semaphore(%run_scoped3A : memref<!tpu.dma_semaphore, #tpu.memory_space<semaphore_mem>>) {add = true}
        %dma_wait3A_101 = arith.constant 0 : i32
        %dma_wait3A_102 = arith.constant 0 : i32
        %dma_wait3A_103 = tpu.memref_slice %arg17[%dma_wait3A_101, %dma_wait3A_102] : memref<10240x128xf32, #tpu.memory_space<vmem_shared>> -> memref<10240x128xf32, #tpu.memory_space<vmem_shared>>
        tpu.wait_indirect_dma semaphore(%run_scoped3A : memref<!tpu.dma_semaphore, #tpu.memory_space<semaphore_mem>>) src(%arg11 : memref<128x128xf32, #tpu.memory_space<vmem>>) dst(%dma_wait3A_103 : memref<10240x128xf32, #tpu.memory_space<vmem_shared>>)
        tpu.yield
      }) : () -> ()
      %lt3A_85 = arith.constant 38 : i32
      %lt3A_86 = arith.cmpi slt, %scan3A_60, %lt3A_85 : i32
      %convert_element_type3A_87 = arith.extui %lt3A_86 : i1 to i32
      %cond3A_88 = arith.constant 0 : i32
      %cond3A_89 = arith.cmpi ne, %convert_element_type3A_87, %cond3A_88 : i32
      scf.if %cond3A_89 {
        %add3A_98 = arith.constant 1 : i32
        %add3A_99 = arith.addi %add3A_64, %add3A_98 : i32
        %mul3A_100 = arith.constant 10112 : i32
        %mul3A_101 = arith.muli %add3A, %mul3A_100 : i32
        %mul3A_102 = arith.constant 128 : i32
        %mul3A_103 = arith.muli %add3A_99, %mul3A_102 : i32
        %add3A_104 = arith.addi %mul3A_101, %mul3A_103 : i32
        %dma_wait3A_105 = tpu.memref_slice %arg3[%add3A_104] : memref<323584xi32, #tpu.memory_space<hbm>> -> memref<128xi32, #tpu.memory_space<hbm>>
        %dma_wait3A_106 = tpu.memref_slice %arg3[%add3A_104] : memref<323584xi32, #tpu.memory_space<hbm>> -> memref<128xi32, #tpu.memory_space<hbm>>
        tpu.wait_dma2 semaphore(%arg15 : memref<!tpu.dma_semaphore, #tpu.memory_space<semaphore_mem>>) src(%dma_wait3A_106 : memref<128xi32, #tpu.memory_space<hbm>>) dst(%arg7 : memref<128xi32, #tpu.memory_space<vmem>>)
        %add3A_107 = arith.constant 1 : i32
        %add3A_108 = arith.addi %add3A_64, %add3A_107 : i32
        %mul3A_109 = arith.constant 10112 : i32
        %mul3A_110 = arith.muli %add3A, %mul3A_109 : i32
        %mul3A_111 = arith.constant 128 : i32
        %mul3A_112 = arith.muli %add3A_108, %mul3A_111 : i32
        %add3A_113 = arith.addi %mul3A_110, %mul3A_112 : i32
        "tpu.region"() ({
          %run_scoped3A = tpu.sem_alloc : memref<!tpu.dma_semaphore, #tpu.memory_space<semaphore_mem>>
          %dma_start3A_117 = tpu.memref_slice %arg4[%add3A_113] : memref<323584xi32, #tpu.memory_space<hbm>> -> memref<128xi32, #tpu.memory_space<hbm>>
          %dma_start3A_118 = tpu.memref_slice %arg4[%add3A_113] : memref<323584xi32, #tpu.memory_space<hbm>> -> memref<128xi32, #tpu.memory_space<hbm>>
          tpu.enqueue_dma source(%dma_start3A_118 : memref<128xi32, #tpu.memory_space<hbm>>) target(%arg9 : memref<128xi32, #tpu.memory_space<vmem>>) target_semaphore(%run_scoped3A : memref<!tpu.dma_semaphore, #tpu.memory_space<semaphore_mem>>)
          %dma_wait3A_119 = tpu.memref_slice %arg4[%add3A_113] : memref<323584xi32, #tpu.memory_space<hbm>> -> memref<128xi32, #tpu.memory_space<hbm>>
          %dma_wait3A_120 = tpu.memref_slice %arg4[%add3A_113] : memref<323584xi32, #tpu.memory_space<hbm>> -> memref<128xi32, #tpu.memory_space<hbm>>
          tpu.wait_dma2 semaphore(%run_scoped3A : memref<!tpu.dma_semaphore, #tpu.memory_space<semaphore_mem>>) src(%dma_wait3A_120 : memref<128xi32, #tpu.memory_space<hbm>>) dst(%arg9 : memref<128xi32, #tpu.memory_space<vmem>>)
          tpu.yield
        }) : () -> ()
        %dma_start3A_114 = arith.constant 0 : i32
        %dma_start3A_115 = arith.constant 0 : i32
        %dma_start3A_116 = tpu.memref_slice %arg2[%dma_start3A_114, %dma_start3A_115] : memref<10240x128xf32, #tpu.memory_space<hbm>> -> memref<10240x128xf32, #tpu.memory_space<hbm>>
        tpu.enqueue_indirect_dma source(%dma_start3A_116 : memref<10240x128xf32, #tpu.memory_space<hbm>>) target(%arg11 : memref<128x128xf32, #tpu.memory_space<vmem>>) offsets(%arg7 : memref<128xi32, #tpu.memory_space<vmem>>) semaphore(%arg13 : memref<!tpu.dma_semaphore, #tpu.memory_space<semaphore_mem>>)
      } else {
      }
      %dma_wait3A_90 = arith.constant 0 : i32
      %dma_wait3A_91 = arith.constant 0 : i32
      %dma_wait3A_92 = tpu.memref_slice %arg2[%dma_wait3A_90, %dma_wait3A_91] : memref<10240x128xf32, #tpu.memory_space<hbm>> -> memref<10240x128xf32, #tpu.memory_space<hbm>>
      tpu.wait_indirect_dma semaphore(%arg14 : memref<!tpu.dma_semaphore, #tpu.memory_space<semaphore_mem>>) src(%dma_wait3A_92 : memref<10240x128xf32, #tpu.memory_space<hbm>>) dst(%arg12 : memref<128x128xf32, #tpu.memory_space<vmem>>)
      %lt3A_93 = arith.constant 38 : i32
      %lt3A_94 = arith.cmpi slt, %scan3A_60, %lt3A_93 : i32
      %convert_element_type3A_95 = arith.extui %lt3A_94 : i1 to i32
      %cond3A_96 = arith.constant 0 : i32
      %cond3A_97 = arith.cmpi ne, %convert_element_type3A_95, %cond3A_96 : i32
      scf.if %cond3A_97 {
        %add3A_98 = arith.constant 2 : i32
        %add3A_99 = arith.addi %add3A_64, %add3A_98 : i32
        %mul3A_100 = arith.constant 10112 : i32
        %mul3A_101 = arith.muli %add3A, %mul3A_100 : i32
        %mul3A_102 = arith.constant 128 : i32
        %mul3A_103 = arith.muli %add3A_99, %mul3A_102 : i32
        %add3A_104 = arith.addi %mul3A_101, %mul3A_103 : i32
        %dma_start3A_105 = tpu.memref_slice %arg3[%add3A_104] : memref<323584xi32, #tpu.memory_space<hbm>> -> memref<128xi32, #tpu.memory_space<hbm>>
        %dma_start3A_106 = tpu.memref_slice %arg3[%add3A_104] : memref<323584xi32, #tpu.memory_space<hbm>> -> memref<128xi32, #tpu.memory_space<hbm>>
        tpu.enqueue_dma source(%dma_start3A_106 : memref<128xi32, #tpu.memory_space<hbm>>) target(%arg8 : memref<128xi32, #tpu.memory_space<vmem>>) target_semaphore(%arg16 : memref<!tpu.dma_semaphore, #tpu.memory_space<semaphore_mem>>)
      } else {
      }
      "tpu.region"() ({
        %run_scoped3A = tpu.sem_alloc : memref<!tpu.dma_semaphore, #tpu.memory_space<semaphore_mem>>
        %dma_start3A_98 = arith.constant 0 : i32
        %dma_start3A_99 = arith.constant 0 : i32
        %dma_start3A_100 = tpu.memref_slice %arg17[%dma_start3A_98, %dma_start3A_99] : memref<10240x128xf32, #tpu.memory_space<vmem_shared>> -> memref<10240x128xf32, #tpu.memory_space<vmem_shared>>
        tpu.enqueue_indirect_dma source(%arg12 : memref<128x128xf32, #tpu.memory_space<vmem>>) target(%dma_start3A_100 : memref<10240x128xf32, #tpu.memory_space<vmem_shared>>) offsets(%arg10 : memref<128xi32, #tpu.memory_space<vmem>>) semaphore(%run_scoped3A : memref<!tpu.dma_semaphore, #tpu.memory_space<semaphore_mem>>) {add = true}
        %dma_wait3A_101 = arith.constant 0 : i32
        %dma_wait3A_102 = arith.constant 0 : i32
        %dma_wait3A_103 = tpu.memref_slice %arg17[%dma_wait3A_101, %dma_wait3A_102] : memref<10240x128xf32, #tpu.memory_space<vmem_shared>> -> memref<10240x128xf32, #tpu.memory_space<vmem_shared>>
        tpu.wait_indirect_dma semaphore(%run_scoped3A : memref<!tpu.dma_semaphore, #tpu.memory_space<semaphore_mem>>) src(%arg12 : memref<128x128xf32, #tpu.memory_space<vmem>>) dst(%dma_wait3A_103 : memref<10240x128xf32, #tpu.memory_space<vmem_shared>>)
        tpu.yield
      }) : () -> ()
    }
    %scan3A_32 = arith.constant 39 : i32
    %mul3A_33 = arith.constant 10112 : i32
    %mul3A_34 = arith.muli %add3A, %mul3A_33 : i32
    %add3A_35 = arith.constant 9984 : i32
    %add3A_36 = arith.addi %mul3A_34, %add3A_35 : i32
    %dma_start3A_37 = tpu.memref_slice %arg3[%add3A_36] : memref<323584xi32, #tpu.memory_space<hbm>> -> memref<128xi32, #tpu.memory_space<hbm>>
    %dma_start3A_38 = tpu.memref_slice %arg3[%add3A_36] : memref<323584xi32, #tpu.memory_space<hbm>> -> memref<128xi32, #tpu.memory_space<hbm>>
    tpu.enqueue_dma source(%dma_start3A_38 : memref<128xi32, #tpu.memory_space<hbm>>) target(%arg7 : memref<128xi32, #tpu.memory_space<vmem>>) target_semaphore(%arg15 : memref<!tpu.dma_semaphore, #tpu.memory_space<semaphore_mem>>)
    %mul3A_39 = arith.constant 10112 : i32
    %mul3A_40 = arith.muli %add3A, %mul3A_39 : i32
    %add3A_41 = arith.constant 9984 : i32
    %add3A_42 = arith.addi %mul3A_40, %add3A_41 : i32
    %dma_wait3A_43 = tpu.memref_slice %arg3[%add3A_42] : memref<323584xi32, #tpu.memory_space<hbm>> -> memref<128xi32, #tpu.memory_space<hbm>>
    %dma_wait3A_44 = tpu.memref_slice %arg3[%add3A_42] : memref<323584xi32, #tpu.memory_space<hbm>> -> memref<128xi32, #tpu.memory_space<hbm>>
    tpu.wait_dma2 semaphore(%arg15 : memref<!tpu.dma_semaphore, #tpu.memory_space<semaphore_mem>>) src(%dma_wait3A_44 : memref<128xi32, #tpu.memory_space<hbm>>) dst(%arg7 : memref<128xi32, #tpu.memory_space<vmem>>)
    %mul3A_45 = arith.constant 10112 : i32
    %mul3A_46 = arith.muli %add3A, %mul3A_45 : i32
    %add3A_47 = arith.constant 9984 : i32
    %add3A_48 = arith.addi %mul3A_46, %add3A_47 : i32
    "tpu.region"() ({
      %run_scoped3A = tpu.sem_alloc : memref<!tpu.dma_semaphore, #tpu.memory_space<semaphore_mem>>
      %dma_start3A_60 = tpu.memref_slice %arg4[%add3A_48] : memref<323584xi32, #tpu.memory_space<hbm>> -> memref<128xi32, #tpu.memory_space<hbm>>
      %dma_start3A_61 = tpu.memref_slice %arg4[%add3A_48] : memref<323584xi32, #tpu.memory_space<hbm>> -> memref<128xi32, #tpu.memory_space<hbm>>
      tpu.enqueue_dma source(%dma_start3A_61 : memref<128xi32, #tpu.memory_space<hbm>>) target(%arg9 : memref<128xi32, #tpu.memory_space<vmem>>) target_semaphore(%run_scoped3A : memref<!tpu.dma_semaphore, #tpu.memory_space<semaphore_mem>>)
      %dma_wait3A_62 = tpu.memref_slice %arg4[%add3A_48] : memref<323584xi32, #tpu.memory_space<hbm>> -> memref<128xi32, #tpu.memory_space<hbm>>
      %dma_wait3A_63 = tpu.memref_slice %arg4[%add3A_48] : memref<323584xi32, #tpu.memory_space<hbm>> -> memref<128xi32, #tpu.memory_space<hbm>>
      tpu.wait_dma2 semaphore(%run_scoped3A : memref<!tpu.dma_semaphore, #tpu.memory_space<semaphore_mem>>) src(%dma_wait3A_63 : memref<128xi32, #tpu.memory_space<hbm>>) dst(%arg9 : memref<128xi32, #tpu.memory_space<vmem>>)
      tpu.yield
    }) : () -> ()
    %dma_start3A_49 = arith.constant 0 : i32
    %dma_start3A_50 = arith.constant 0 : i32
    %dma_start3A_51 = tpu.memref_slice %arg2[%dma_start3A_49, %dma_start3A_50] : memref<10240x128xf32, #tpu.memory_space<hbm>> -> memref<10240x128xf32, #tpu.memory_space<hbm>>
    tpu.enqueue_indirect_dma source(%dma_start3A_51 : memref<10240x128xf32, #tpu.memory_space<hbm>>) target(%arg11 : memref<128x128xf32, #tpu.memory_space<vmem>>) offsets(%arg7 : memref<128xi32, #tpu.memory_space<vmem>>) semaphore(%arg13 : memref<!tpu.dma_semaphore, #tpu.memory_space<semaphore_mem>>)
    %dma_wait3A_52 = arith.constant 0 : i32
    %dma_wait3A_53 = arith.constant 0 : i32
    %dma_wait3A_54 = tpu.memref_slice %arg2[%dma_wait3A_52, %dma_wait3A_53] : memref<10240x128xf32, #tpu.memory_space<hbm>> -> memref<10240x128xf32, #tpu.memory_space<hbm>>
    tpu.wait_indirect_dma semaphore(%arg13 : memref<!tpu.dma_semaphore, #tpu.memory_space<semaphore_mem>>) src(%dma_wait3A_54 : memref<10240x128xf32, #tpu.memory_space<hbm>>) dst(%arg11 : memref<128x128xf32, #tpu.memory_space<vmem>>)
    "tpu.region"() ({
      %run_scoped3A = tpu.sem_alloc : memref<!tpu.dma_semaphore, #tpu.memory_space<semaphore_mem>>
      %dma_start3A_60 = arith.constant 0 : i32
      %dma_start3A_61 = arith.constant 0 : i32
      %dma_start3A_62 = tpu.memref_slice %arg17[%dma_start3A_60, %dma_start3A_61] : memref<10240x128xf32, #tpu.memory_space<vmem_shared>> -> memref<10240x128xf32, #tpu.memory_space<vmem_shared>>
      tpu.enqueue_indirect_dma source(%arg11 : memref<128x128xf32, #tpu.memory_space<vmem>>) target(%dma_start3A_62 : memref<10240x128xf32, #tpu.memory_space<vmem_shared>>) offsets(%arg9 : memref<128xi32, #tpu.memory_space<vmem>>) semaphore(%run_scoped3A : memref<!tpu.dma_semaphore, #tpu.memory_space<semaphore_mem>>) {add = true}
      %dma_wait3A_63 = arith.constant 0 : i32
      %dma_wait3A_64 = arith.constant 0 : i32
      %dma_wait3A_65 = tpu.memref_slice %arg17[%dma_wait3A_63, %dma_wait3A_64] : memref<10240x128xf32, #tpu.memory_space<vmem_shared>> -> memref<10240x128xf32, #tpu.memory_space<vmem_shared>>
      tpu.wait_indirect_dma semaphore(%run_scoped3A : memref<!tpu.dma_semaphore, #tpu.memory_space<semaphore_mem>>) src(%arg11 : memref<128x128xf32, #tpu.memory_space<vmem>>) dst(%dma_wait3A_65 : memref<10240x128xf32, #tpu.memory_space<vmem_shared>>)
      tpu.yield
    }) : () -> ()
    %barrier3A_55 = arith.constant 0 : index
    tpu.barrier barrier_id(%barrier3A_55)
    %mul3A_56 = arith.constant 640 : i32
    %mul3A_57 = arith.muli %arg1, %mul3A_56 : i32
    %mul3A_58 = arith.constant 640 : i32
    %mul3A_59 = arith.muli %arg1, %mul3A_58 : i32
    "tpu.region"() ({
      %run_scoped3A = tpu.sem_alloc : memref<!tpu.dma_semaphore, #tpu.memory_space<semaphore_mem>>
      %dma_start3A_60 = arith.constant 0 : i32
      %dma_start3A_61 = tpu.memref_slice %arg6[%arg0, %mul3A_59, %dma_start3A_60] : memref<2x10240x128xf32, #tpu.memory_space<hbm>> -> memref<1x640x128xf32, #tpu.memory_space<hbm>>
      %dma_start3A_62 = tpu.memref_squeeze %dma_start3A_61 : memref<1x640x128xf32, #tpu.memory_space<hbm>> -> memref<640x128xf32, #tpu.memory_space<hbm>>
      %dma_start3A_63 = arith.constant 0 : i32
      %dma_start3A_64 = tpu.memref_slice %arg17[%mul3A_57, %dma_start3A_63] : memref<10240x128xf32, #tpu.memory_space<vmem_shared>> -> memref<640x128xf32, #tpu.memory_space<vmem_shared>>
      tpu.enqueue_dma source(%dma_start3A_64 : memref<640x128xf32, #tpu.memory_space<vmem_shared>>) target(%dma_start3A_62 : memref<640x128xf32, #tpu.memory_space<hbm>>) target_semaphore(%run_scoped3A : memref<!tpu.dma_semaphore, #tpu.memory_space<semaphore_mem>>)
      %dma_wait3A_65 = arith.constant 0 : i32
      %dma_wait3A_66 = tpu.memref_slice %arg6[%arg0, %mul3A_59, %dma_wait3A_65] : memref<2x10240x128xf32, #tpu.memory_space<hbm>> -> memref<1x640x128xf32, #tpu.memory_space<hbm>>
      %dma_wait3A_67 = tpu.memref_squeeze %dma_wait3A_66 : memref<1x640x128xf32, #tpu.memory_space<hbm>> -> memref<640x128xf32, #tpu.memory_space<hbm>>
      %dma_wait3A_68 = arith.constant 0 : i32
      %dma_wait3A_69 = tpu.memref_slice %arg17[%mul3A_57, %dma_wait3A_68] : memref<10240x128xf32, #tpu.memory_space<vmem_shared>> -> memref<640x128xf32, #tpu.memory_space<vmem_shared>>
      tpu.wait_dma2 semaphore(%run_scoped3A : memref<!tpu.dma_semaphore, #tpu.memory_space<semaphore_mem>>) src(%dma_wait3A_69 : memref<640x128xf32, #tpu.memory_space<vmem_shared>>) dst(%dma_wait3A_67 : memref<640x128xf32, #tpu.memory_space<hbm>>)
      tpu.yield
    }) : () -> ()
    return
  }
}

#map = affine_map<(d0, d1) -> (0, 0)>
#map1 = affine_map<(d0, d1) -> (0)>
#map2 = affine_map<(d0, d1) -> (0, 0, 0)>
module attributes {stable_mosaic.version = 14 : i64} {
  func.func @_agg_kernel(%arg0: i32, %arg1: i32, %arg2: memref<10240x128xf32, #tpu.memory_space<hbm>>, %arg3: memref<323584xi32, #tpu.memory_space<hbm>>, %arg4: memref<323584xi32, #tpu.memory_space<hbm>>, %arg5: memref<10240x128xf32, #tpu.memory_space<hbm>>, %arg6: memref<2x10240x128xf32, #tpu.memory_space<hbm>>, %arg7: memref<128xi32, #tpu.memory_space<vmem>>, %arg8: memref<128xi32, #tpu.memory_space<vmem>>, %arg9: memref<128xi32, #tpu.memory_space<vmem>>, %arg10: memref<128xi32, #tpu.memory_space<vmem>>, %arg11: memref<128x128xf32, #tpu.memory_space<vmem>>, %arg12: memref<128x128xf32, #tpu.memory_space<vmem>>, %arg13: memref<!tpu.dma_semaphore, #tpu.memory_space<semaphore_mem>>, %arg14: memref<!tpu.dma_semaphore, #tpu.memory_space<semaphore_mem>>, %arg15: memref<!tpu.dma_semaphore, #tpu.memory_space<semaphore_mem>>, %arg16: memref<!tpu.dma_semaphore, #tpu.memory_space<semaphore_mem>>, %arg17: memref<10240x128xf32, #tpu.memory_space<vmem_shared>>) attributes {dimension_semantics = [#tpu.dimension_semantics<core_parallel>, #tpu.dimension_semantics<subcore_parallel>], iteration_bounds = array<i64: 2, 16>, scalar_prefetch = 0 : i64, scratch_operands = 11 : i64, tpu.core_type = #tpu.core_type<sc_vector_subcore>, window_params = [{transform_indices = #map}, {transform_indices = #map1}, {transform_indices = #map1}, {transform_indices = #map}, {transform_indices = #map2}]} {
    %mul3A = arith.constant 2 : i32
    %mul3A_0 = arith.muli %arg1, %mul3A : i32
    %add3A = arith.addi %mul3A_0, %arg0 : i32
    %mul3A_1 = arith.constant 640 : i32
    %mul3A_2 = arith.muli %arg1, %mul3A_1 : i32
    %mul3A_3 = arith.constant 640 : i32
    %mul3A_4 = arith.muli %arg1, %mul3A_3 : i32
    "tpu.region"() ({
      %run_scoped3A = tpu.sem_alloc : memref<!tpu.dma_semaphore, #tpu.memory_space<semaphore_mem>>
      %dma_start3A_60 = arith.constant 0 : i32
      %dma_start3A_61 = tpu.memref_slice %arg17[%mul3A_4, %dma_start3A_60] : memref<10240x128xf32, #tpu.memory_space<vmem_shared>> -> memref<640x128xf32, #tpu.memory_space<vmem_shared>>
      %dma_start3A_62 = arith.constant 0 : i32
      %dma_start3A_63 = tpu.memref_slice %arg5[%mul3A_2, %dma_start3A_62] : memref<10240x128xf32, #tpu.memory_space<hbm>> -> memref<640x128xf32, #tpu.memory_space<hbm>>
      tpu.enqueue_dma source(%dma_start3A_63 : memref<640x128xf32, #tpu.memory_space<hbm>>) target(%dma_start3A_61 : memref<640x128xf32, #tpu.memory_space<vmem_shared>>) target_semaphore(%run_scoped3A : memref<!tpu.dma_semaphore, #tpu.memory_space<semaphore_mem>>)
      %dma_wait3A_64 = arith.constant 0 : i32
      %dma_wait3A_65 = tpu.memref_slice %arg17[%mul3A_4, %dma_wait3A_64] : memref<10240x128xf32, #tpu.memory_space<vmem_shared>> -> memref<640x128xf32, #tpu.memory_space<vmem_shared>>
      %dma_wait3A_66 = arith.constant 0 : i32
      %dma_wait3A_67 = tpu.memref_slice %arg5[%mul3A_2, %dma_wait3A_66] : memref<10240x128xf32, #tpu.memory_space<hbm>> -> memref<640x128xf32, #tpu.memory_space<hbm>>
      tpu.wait_dma2 semaphore(%run_scoped3A : memref<!tpu.dma_semaphore, #tpu.memory_space<semaphore_mem>>) src(%dma_wait3A_67 : memref<640x128xf32, #tpu.memory_space<hbm>>) dst(%dma_wait3A_65 : memref<640x128xf32, #tpu.memory_space<vmem_shared>>)
      tpu.yield
    }) : () -> ()
    %barrier3A = arith.constant 0 : index
    tpu.barrier barrier_id(%barrier3A)
    %mul3A_5 = arith.constant 10112 : i32
    %mul3A_6 = arith.muli %add3A, %mul3A_5 : i32
    %add3A_7 = arith.constant 0 : i32
    %add3A_8 = arith.addi %mul3A_6, %add3A_7 : i32
    %dma_start3A = tpu.memref_slice %arg3[%add3A_8] : memref<323584xi32, #tpu.memory_space<hbm>> -> memref<128xi32, #tpu.memory_space<hbm>>
    %dma_start3A_9 = tpu.memref_slice %arg3[%add3A_8] : memref<323584xi32, #tpu.memory_space<hbm>> -> memref<128xi32, #tpu.memory_space<hbm>>
    tpu.enqueue_dma source(%dma_start3A_9 : memref<128xi32, #tpu.memory_space<hbm>>) target(%arg7 : memref<128xi32, #tpu.memory_space<vmem>>) target_semaphore(%arg15 : memref<!tpu.dma_semaphore, #tpu.memory_space<semaphore_mem>>)
    %mul3A_10 = arith.constant 10112 : i32
    %mul3A_11 = arith.muli %add3A, %mul3A_10 : i32
    %add3A_12 = arith.constant 0 : i32
    %add3A_13 = arith.addi %mul3A_11, %add3A_12 : i32
    %dma_wait3A = tpu.memref_slice %arg3[%add3A_13] : memref<323584xi32, #tpu.memory_space<hbm>> -> memref<128xi32, #tpu.memory_space<hbm>>
    %dma_wait3A_14 = tpu.memref_slice %arg3[%add3A_13] : memref<323584xi32, #tpu.memory_space<hbm>> -> memref<128xi32, #tpu.memory_space<hbm>>
    tpu.wait_dma2 semaphore(%arg15 : memref<!tpu.dma_semaphore, #tpu.memory_space<semaphore_mem>>) src(%dma_wait3A_14 : memref<128xi32, #tpu.memory_space<hbm>>) dst(%arg7 : memref<128xi32, #tpu.memory_space<vmem>>)
    %mul3A_15 = arith.constant 10112 : i32
    %mul3A_16 = arith.muli %add3A, %mul3A_15 : i32
    %add3A_17 = arith.constant 0 : i32
    %add3A_18 = arith.addi %mul3A_16, %add3A_17 : i32
    "tpu.region"() ({
      %run_scoped3A = tpu.sem_alloc : memref<!tpu.dma_semaphore, #tpu.memory_space<semaphore_mem>>
      %dma_start3A_60 = tpu.memref_slice %arg4[%add3A_18] : memref<323584xi32, #tpu.memory_space<hbm>> -> memref<128xi32, #tpu.memory_space<hbm>>
      %dma_start3A_61 = tpu.memref_slice %arg4[%add3A_18] : memref<323584xi32, #tpu.memory_space<hbm>> -> memref<128xi32, #tpu.memory_space<hbm>>
      tpu.enqueue_dma source(%dma_start3A_61 : memref<128xi32, #tpu.memory_space<hbm>>) target(%arg9 : memref<128xi32, #tpu.memory_space<vmem>>) target_semaphore(%run_scoped3A : memref<!tpu.dma_semaphore, #tpu.memory_space<semaphore_mem>>)
      %dma_wait3A_62 = tpu.memref_slice %arg4[%add3A_18] : memref<323584xi32, #tpu.memory_space<hbm>> -> memref<128xi32, #tpu.memory_space<hbm>>
      %dma_wait3A_63 = tpu.memref_slice %arg4[%add3A_18] : memref<323584xi32, #tpu.memory_space<hbm>> -> memref<128xi32, #tpu.memory_space<hbm>>
      tpu.wait_dma2 semaphore(%run_scoped3A : memref<!tpu.dma_semaphore, #tpu.memory_space<semaphore_mem>>) src(%dma_wait3A_63 : memref<128xi32, #tpu.memory_space<hbm>>) dst(%arg9 : memref<128xi32, #tpu.memory_space<vmem>>)
      tpu.yield
    }) : () -> ()
    %dma_start3A_19 = arith.constant 0 : i32
    %dma_start3A_20 = arith.constant 0 : i32
    %dma_start3A_21 = tpu.memref_slice %arg2[%dma_start3A_19, %dma_start3A_20] : memref<10240x128xf32, #tpu.memory_space<hbm>> -> memref<10240x128xf32, #tpu.memory_space<hbm>>
    tpu.enqueue_indirect_dma source(%dma_start3A_21 : memref<10240x128xf32, #tpu.memory_space<hbm>>) target(%arg11 : memref<128x128xf32, #tpu.memory_space<vmem>>) offsets(%arg7 : memref<128xi32, #tpu.memory_space<vmem>>) semaphore(%arg13 : memref<!tpu.dma_semaphore, #tpu.memory_space<semaphore_mem>>)
    %mul3A_22 = arith.constant 10112 : i32
    %mul3A_23 = arith.muli %add3A, %mul3A_22 : i32
    %add3A_24 = arith.constant 128 : i32
    %add3A_25 = arith.addi %mul3A_23, %add3A_24 : i32
    %dma_start3A_26 = tpu.memref_slice %arg3[%add3A_25] : memref<323584xi32, #tpu.memory_space<hbm>> -> memref<128xi32, #tpu.memory_space<hbm>>
    %dma_start3A_27 = tpu.memref_slice %arg3[%add3A_25] : memref<323584xi32, #tpu.memory_space<hbm>> -> memref<128xi32, #tpu.memory_space<hbm>>
    tpu.enqueue_dma source(%dma_start3A_27 : memref<128xi32, #tpu.memory_space<hbm>>) target(%arg8 : memref<128xi32, #tpu.memory_space<vmem>>) target_semaphore(%arg16 : memref<!tpu.dma_semaphore, #tpu.memory_space<semaphore_mem>>)
    %scan3A = arith.constant 0 : i32
    %scan3A_28 = arith.constant 0 : i32
    %scan3A_29 = arith.constant 39 : i32
    %scan3A_30 = arith.addi %scan3A_28, %scan3A_29 : i32
    %scan3A_31 = arith.constant 1 : i32
    scf.for %scan3A_60 = %scan3A_28 to %scan3A_30 step %scan3A_31  : i32 {
      %mul3A_61 = arith.constant 2 : i32
      %mul3A_62 = arith.muli %mul3A_61, %scan3A_60 : i32
      %add3A_63 = arith.constant 1 : i32
      %add3A_64 = arith.addi %mul3A_62, %add3A_63 : i32
      %mul3A_65 = arith.constant 10112 : i32
      %mul3A_66 = arith.muli %add3A, %mul3A_65 : i32
      %mul3A_67 = arith.constant 128 : i32
      %mul3A_68 = arith.muli %add3A_64, %mul3A_67 : i32
      %add3A_69 = arith.addi %mul3A_66, %mul3A_68 : i32
      %dma_wait3A_70 = tpu.memref_slice %arg3[%add3A_69] : memref<323584xi32, #tpu.memory_space<hbm>> -> memref<128xi32, #tpu.memory_space<hbm>>
      %dma_wait3A_71 = tpu.memref_slice %arg3[%add3A_69] : memref<323584xi32, #tpu.memory_space<hbm>> -> memref<128xi32, #tpu.memory_space<hbm>>
      tpu.wait_dma2 semaphore(%arg16 : memref<!tpu.dma_semaphore, #tpu.memory_space<semaphore_mem>>) src(%dma_wait3A_71 : memref<128xi32, #tpu.memory_space<hbm>>) dst(%arg8 : memref<128xi32, #tpu.memory_space<vmem>>)
      %mul3A_72 = arith.constant 10112 : i32
      %mul3A_73 = arith.muli %add3A, %mul3A_72 : i32
      %mul3A_74 = arith.constant 128 : i32
      %mul3A_75 = arith.muli %add3A_64, %mul3A_74 : i32
      %add3A_76 = arith.addi %mul3A_73, %mul3A_75 : i32
      "tpu.region"() ({
        %run_scoped3A = tpu.sem_alloc : memref<!tpu.dma_semaphore, #tpu.memory_space<semaphore_mem>>
        %dma_start3A_98 = tpu.memref_slice %arg4[%add3A_76] : memref<323584xi32, #tpu.memory_space<hbm>> -> memref<128xi32, #tpu.memory_space<hbm>>
        %dma_start3A_99 = tpu.memref_slice %arg4[%add3A_76] : memref<323584xi32, #tpu.memory_space<hbm>> -> memref<128xi32, #tpu.memory_space<hbm>>
        tpu.enqueue_dma source(%dma_start3A_99 : memref<128xi32, #tpu.memory_space<hbm>>) target(%arg10 : memref<128xi32, #tpu.memory_space<vmem>>) target_semaphore(%run_scoped3A : memref<!tpu.dma_semaphore, #tpu.memory_space<semaphore_mem>>)
        %dma_wait3A_100 = tpu.memref_slice %arg4[%add3A_76] : memref<323584xi32, #tpu.memory_space<hbm>> -> memref<128xi32, #tpu.memory_space<hbm>>
        %dma_wait3A_101 = tpu.memref_slice %arg4[%add3A_76] : memref<323584xi32, #tpu.memory_space<hbm>> -> memref<128xi32, #tpu.memory_space<hbm>>
        tpu.wait_dma2 semaphore(%run_scoped3A : memref<!tpu.dma_semaphore, #tpu.memory_space<semaphore_mem>>) src(%dma_wait3A_101 : memref<128xi32, #tpu.memory_space<hbm>>) dst(%arg10 : memref<128xi32, #tpu.memory_space<vmem>>)
        tpu.yield
      }) : () -> ()
      %dma_start3A_77 = arith.constant 0 : i32
      %dma_start3A_78 = arith.constant 0 : i32
      %dma_start3A_79 = tpu.memref_slice %arg2[%dma_start3A_77, %dma_start3A_78] : memref<10240x128xf32, #tpu.memory_space<hbm>> -> memref<10240x128xf32, #tpu.memory_space<hbm>>
      tpu.enqueue_indirect_dma source(%dma_start3A_79 : memref<10240x128xf32, #tpu.memory_space<hbm>>) target(%arg12 : memref<128x128xf32, #tpu.memory_space<vmem>>) offsets(%arg8 : memref<128xi32, #tpu.memory_space<vmem>>) semaphore(%arg14 : memref<!tpu.dma_semaphore, #tpu.memory_space<semaphore_mem>>)
      %dma_wait3A_80 = arith.constant 0 : i32
      %dma_wait3A_81 = arith.constant 0 : i32
      %dma_wait3A_82 = tpu.memref_slice %arg2[%dma_wait3A_80, %dma_wait3A_81] : memref<10240x128xf32, #tpu.memory_space<hbm>> -> memref<10240x128xf32, #tpu.memory_space<hbm>>
      tpu.wait_indirect_dma semaphore(%arg13 : memref<!tpu.dma_semaphore, #tpu.memory_space<semaphore_mem>>) src(%dma_wait3A_82 : memref<10240x128xf32, #tpu.memory_space<hbm>>) dst(%arg11 : memref<128x128xf32, #tpu.memory_space<vmem>>)
      %lt3A = arith.constant 38 : i32
      %lt3A_83 = arith.cmpi slt, %scan3A_60, %lt3A : i32
      %convert_element_type3A = arith.extui %lt3A_83 : i1 to i32
      %cond3A = arith.constant 0 : i32
      %cond3A_84 = arith.cmpi ne, %convert_element_type3A, %cond3A : i32
      scf.if %cond3A_84 {
        %add3A_98 = arith.constant 1 : i32
        %add3A_99 = arith.addi %add3A_64, %add3A_98 : i32
        %mul3A_100 = arith.constant 10112 : i32
        %mul3A_101 = arith.muli %add3A, %mul3A_100 : i32
        %mul3A_102 = arith.constant 128 : i32
        %mul3A_103 = arith.muli %add3A_99, %mul3A_102 : i32
        %add3A_104 = arith.addi %mul3A_101, %mul3A_103 : i32
        %dma_start3A_105 = tpu.memref_slice %arg3[%add3A_104] : memref<323584xi32, #tpu.memory_space<hbm>> -> memref<128xi32, #tpu.memory_space<hbm>>
        %dma_start3A_106 = tpu.memref_slice %arg3[%add3A_104] : memref<323584xi32, #tpu.memory_space<hbm>> -> memref<128xi32, #tpu.memory_space<hbm>>
        tpu.enqueue_dma source(%dma_start3A_106 : memref<128xi32, #tpu.memory_space<hbm>>) target(%arg7 : memref<128xi32, #tpu.memory_space<vmem>>) target_semaphore(%arg15 : memref<!tpu.dma_semaphore, #tpu.memory_space<semaphore_mem>>)
      } else {
      }
      "tpu.region"() ({
        %run_scoped3A = tpu.sem_alloc : memref<!tpu.dma_semaphore, #tpu.memory_space<semaphore_mem>>
        %dma_start3A_98 = arith.constant 0 : i32
        %dma_start3A_99 = arith.constant 0 : i32
        %dma_start3A_100 = tpu.memref_slice %arg17[%dma_start3A_98, %dma_start3A_99] : memref<10240x128xf32, #tpu.memory_space<vmem_shared>> -> memref<10240x128xf32, #tpu.memory_space<vmem_shared>>
        tpu.enqueue_indirect_dma source(%arg11 : memref<128x128xf32, #tpu.memory_space<vmem>>) target(%dma_start3A_100 : memref<10240x128xf32, #tpu.memory_space<vmem_shared>>) offsets(%arg9 : memref<128xi32, #tpu.memory_space<vmem>>) semaphore(%run_scoped3A : memref<!tpu.dma_semaphore, #tpu.memory_space<semaphore_mem>>) {add = true}
        %dma_wait3A_101 = arith.constant 0 : i32
        %dma_wait3A_102 = arith.constant 0 : i32
        %dma_wait3A_103 = tpu.memref_slice %arg17[%dma_wait3A_101, %dma_wait3A_102] : memref<10240x128xf32, #tpu.memory_space<vmem_shared>> -> memref<10240x128xf32, #tpu.memory_space<vmem_shared>>
        tpu.wait_indirect_dma semaphore(%run_scoped3A : memref<!tpu.dma_semaphore, #tpu.memory_space<semaphore_mem>>) src(%arg11 : memref<128x128xf32, #tpu.memory_space<vmem>>) dst(%dma_wait3A_103 : memref<10240x128xf32, #tpu.memory_space<vmem_shared>>)
        tpu.yield
      }) : () -> ()
      %lt3A_85 = arith.constant 38 : i32
      %lt3A_86 = arith.cmpi slt, %scan3A_60, %lt3A_85 : i32
      %convert_element_type3A_87 = arith.extui %lt3A_86 : i1 to i32
      %cond3A_88 = arith.constant 0 : i32
      %cond3A_89 = arith.cmpi ne, %convert_element_type3A_87, %cond3A_88 : i32
      scf.if %cond3A_89 {
        %add3A_98 = arith.constant 1 : i32
        %add3A_99 = arith.addi %add3A_64, %add3A_98 : i32
        %mul3A_100 = arith.constant 10112 : i32
        %mul3A_101 = arith.muli %add3A, %mul3A_100 : i32
        %mul3A_102 = arith.constant 128 : i32
        %mul3A_103 = arith.muli %add3A_99, %mul3A_102 : i32
        %add3A_104 = arith.addi %mul3A_101, %mul3A_103 : i32
        %dma_wait3A_105 = tpu.memref_slice %arg3[%add3A_104] : memref<323584xi32, #tpu.memory_space<hbm>> -> memref<128xi32, #tpu.memory_space<hbm>>
        %dma_wait3A_106 = tpu.memref_slice %arg3[%add3A_104] : memref<323584xi32, #tpu.memory_space<hbm>> -> memref<128xi32, #tpu.memory_space<hbm>>
        tpu.wait_dma2 semaphore(%arg15 : memref<!tpu.dma_semaphore, #tpu.memory_space<semaphore_mem>>) src(%dma_wait3A_106 : memref<128xi32, #tpu.memory_space<hbm>>) dst(%arg7 : memref<128xi32, #tpu.memory_space<vmem>>)
        %add3A_107 = arith.constant 1 : i32
        %add3A_108 = arith.addi %add3A_64, %add3A_107 : i32
        %mul3A_109 = arith.constant 10112 : i32
        %mul3A_110 = arith.muli %add3A, %mul3A_109 : i32
        %mul3A_111 = arith.constant 128 : i32
        %mul3A_112 = arith.muli %add3A_108, %mul3A_111 : i32
        %add3A_113 = arith.addi %mul3A_110, %mul3A_112 : i32
        "tpu.region"() ({
          %run_scoped3A = tpu.sem_alloc : memref<!tpu.dma_semaphore, #tpu.memory_space<semaphore_mem>>
          %dma_start3A_117 = tpu.memref_slice %arg4[%add3A_113] : memref<323584xi32, #tpu.memory_space<hbm>> -> memref<128xi32, #tpu.memory_space<hbm>>
          %dma_start3A_118 = tpu.memref_slice %arg4[%add3A_113] : memref<323584xi32, #tpu.memory_space<hbm>> -> memref<128xi32, #tpu.memory_space<hbm>>
          tpu.enqueue_dma source(%dma_start3A_118 : memref<128xi32, #tpu.memory_space<hbm>>) target(%arg9 : memref<128xi32, #tpu.memory_space<vmem>>) target_semaphore(%run_scoped3A : memref<!tpu.dma_semaphore, #tpu.memory_space<semaphore_mem>>)
          %dma_wait3A_119 = tpu.memref_slice %arg4[%add3A_113] : memref<323584xi32, #tpu.memory_space<hbm>> -> memref<128xi32, #tpu.memory_space<hbm>>
          %dma_wait3A_120 = tpu.memref_slice %arg4[%add3A_113] : memref<323584xi32, #tpu.memory_space<hbm>> -> memref<128xi32, #tpu.memory_space<hbm>>
          tpu.wait_dma2 semaphore(%run_scoped3A : memref<!tpu.dma_semaphore, #tpu.memory_space<semaphore_mem>>) src(%dma_wait3A_120 : memref<128xi32, #tpu.memory_space<hbm>>) dst(%arg9 : memref<128xi32, #tpu.memory_space<vmem>>)
          tpu.yield
        }) : () -> ()
        %dma_start3A_114 = arith.constant 0 : i32
        %dma_start3A_115 = arith.constant 0 : i32
        %dma_start3A_116 = tpu.memref_slice %arg2[%dma_start3A_114, %dma_start3A_115] : memref<10240x128xf32, #tpu.memory_space<hbm>> -> memref<10240x128xf32, #tpu.memory_space<hbm>>
        tpu.enqueue_indirect_dma source(%dma_start3A_116 : memref<10240x128xf32, #tpu.memory_space<hbm>>) target(%arg11 : memref<128x128xf32, #tpu.memory_space<vmem>>) offsets(%arg7 : memref<128xi32, #tpu.memory_space<vmem>>) semaphore(%arg13 : memref<!tpu.dma_semaphore, #tpu.memory_space<semaphore_mem>>)
      } else {
      }
      %dma_wait3A_90 = arith.constant 0 : i32
      %dma_wait3A_91 = arith.constant 0 : i32
      %dma_wait3A_92 = tpu.memref_slice %arg2[%dma_wait3A_90, %dma_wait3A_91] : memref<10240x128xf32, #tpu.memory_space<hbm>> -> memref<10240x128xf32, #tpu.memory_space<hbm>>
      tpu.wait_indirect_dma semaphore(%arg14 : memref<!tpu.dma_semaphore, #tpu.memory_space<semaphore_mem>>) src(%dma_wait3A_92 : memref<10240x128xf32, #tpu.memory_space<hbm>>) dst(%arg12 : memref<128x128xf32, #tpu.memory_space<vmem>>)
      %lt3A_93 = arith.constant 38 : i32
      %lt3A_94 = arith.cmpi slt, %scan3A_60, %lt3A_93 : i32
      %convert_element_type3A_95 = arith.extui %lt3A_94 : i1 to i32
      %cond3A_96 = arith.constant 0 : i32
      %cond3A_97 = arith.cmpi ne, %convert_element_type3A_95, %cond3A_96 : i32
      scf.if %cond3A_97 {
        %add3A_98 = arith.constant 2 : i32
        %add3A_99 = arith.addi %add3A_64, %add3A_98 : i32
        %mul3A_100 = arith.constant 10112 : i32
        %mul3A_101 = arith.muli %add3A, %mul3A_100 : i32
        %mul3A_102 = arith.constant 128 : i32
        %mul3A_103 = arith.muli %add3A_99, %mul3A_102 : i32
        %add3A_104 = arith.addi %mul3A_101, %mul3A_103 : i32
        %dma_start3A_105 = tpu.memref_slice %arg3[%add3A_104] : memref<323584xi32, #tpu.memory_space<hbm>> -> memref<128xi32, #tpu.memory_space<hbm>>
        %dma_start3A_106 = tpu.memref_slice %arg3[%add3A_104] : memref<323584xi32, #tpu.memory_space<hbm>> -> memref<128xi32, #tpu.memory_space<hbm>>
        tpu.enqueue_dma source(%dma_start3A_106 : memref<128xi32, #tpu.memory_space<hbm>>) target(%arg8 : memref<128xi32, #tpu.memory_space<vmem>>) target_semaphore(%arg16 : memref<!tpu.dma_semaphore, #tpu.memory_space<semaphore_mem>>)
      } else {
      }
      "tpu.region"() ({
        %run_scoped3A = tpu.sem_alloc : memref<!tpu.dma_semaphore, #tpu.memory_space<semaphore_mem>>
        %dma_start3A_98 = arith.constant 0 : i32
        %dma_start3A_99 = arith.constant 0 : i32
        %dma_start3A_100 = tpu.memref_slice %arg17[%dma_start3A_98, %dma_start3A_99] : memref<10240x128xf32, #tpu.memory_space<vmem_shared>> -> memref<10240x128xf32, #tpu.memory_space<vmem_shared>>
        tpu.enqueue_indirect_dma source(%arg12 : memref<128x128xf32, #tpu.memory_space<vmem>>) target(%dma_start3A_100 : memref<10240x128xf32, #tpu.memory_space<vmem_shared>>) offsets(%arg10 : memref<128xi32, #tpu.memory_space<vmem>>) semaphore(%run_scoped3A : memref<!tpu.dma_semaphore, #tpu.memory_space<semaphore_mem>>) {add = true}
        %dma_wait3A_101 = arith.constant 0 : i32
        %dma_wait3A_102 = arith.constant 0 : i32
        %dma_wait3A_103 = tpu.memref_slice %arg17[%dma_wait3A_101, %dma_wait3A_102] : memref<10240x128xf32, #tpu.memory_space<vmem_shared>> -> memref<10240x128xf32, #tpu.memory_space<vmem_shared>>
        tpu.wait_indirect_dma semaphore(%run_scoped3A : memref<!tpu.dma_semaphore, #tpu.memory_space<semaphore_mem>>) src(%arg12 : memref<128x128xf32, #tpu.memory_space<vmem>>) dst(%dma_wait3A_103 : memref<10240x128xf32, #tpu.memory_space<vmem_shared>>)
        tpu.yield
      }) : () -> ()
    }
    %scan3A_32 = arith.constant 39 : i32
    %mul3A_33 = arith.constant 10112 : i32
    %mul3A_34 = arith.muli %add3A, %mul3A_33 : i32
    %add3A_35 = arith.constant 9984 : i32
    %add3A_36 = arith.addi %mul3A_34, %add3A_35 : i32
    %dma_start3A_37 = tpu.memref_slice %arg3[%add3A_36] : memref<323584xi32, #tpu.memory_space<hbm>> -> memref<128xi32, #tpu.memory_space<hbm>>
    %dma_start3A_38 = tpu.memref_slice %arg3[%add3A_36] : memref<323584xi32, #tpu.memory_space<hbm>> -> memref<128xi32, #tpu.memory_space<hbm>>
    tpu.enqueue_dma source(%dma_start3A_38 : memref<128xi32, #tpu.memory_space<hbm>>) target(%arg7 : memref<128xi32, #tpu.memory_space<vmem>>) target_semaphore(%arg15 : memref<!tpu.dma_semaphore, #tpu.memory_space<semaphore_mem>>)
    %mul3A_39 = arith.constant 10112 : i32
    %mul3A_40 = arith.muli %add3A, %mul3A_39 : i32
    %add3A_41 = arith.constant 9984 : i32
    %add3A_42 = arith.addi %mul3A_40, %add3A_41 : i32
    %dma_wait3A_43 = tpu.memref_slice %arg3[%add3A_42] : memref<323584xi32, #tpu.memory_space<hbm>> -> memref<128xi32, #tpu.memory_space<hbm>>
    %dma_wait3A_44 = tpu.memref_slice %arg3[%add3A_42] : memref<323584xi32, #tpu.memory_space<hbm>> -> memref<128xi32, #tpu.memory_space<hbm>>
    tpu.wait_dma2 semaphore(%arg15 : memref<!tpu.dma_semaphore, #tpu.memory_space<semaphore_mem>>) src(%dma_wait3A_44 : memref<128xi32, #tpu.memory_space<hbm>>) dst(%arg7 : memref<128xi32, #tpu.memory_space<vmem>>)
    %mul3A_45 = arith.constant 10112 : i32
    %mul3A_46 = arith.muli %add3A, %mul3A_45 : i32
    %add3A_47 = arith.constant 9984 : i32
    %add3A_48 = arith.addi %mul3A_46, %add3A_47 : i32
    "tpu.region"() ({
      %run_scoped3A = tpu.sem_alloc : memref<!tpu.dma_semaphore, #tpu.memory_space<semaphore_mem>>
      %dma_start3A_60 = tpu.memref_slice %arg4[%add3A_48] : memref<323584xi32, #tpu.memory_space<hbm>> -> memref<128xi32, #tpu.memory_space<hbm>>
      %dma_start3A_61 = tpu.memref_slice %arg4[%add3A_48] : memref<323584xi32, #tpu.memory_space<hbm>> -> memref<128xi32, #tpu.memory_space<hbm>>
      tpu.enqueue_dma source(%dma_start3A_61 : memref<128xi32, #tpu.memory_space<hbm>>) target(%arg9 : memref<128xi32, #tpu.memory_space<vmem>>) target_semaphore(%run_scoped3A : memref<!tpu.dma_semaphore, #tpu.memory_space<semaphore_mem>>)
      %dma_wait3A_62 = tpu.memref_slice %arg4[%add3A_48] : memref<323584xi32, #tpu.memory_space<hbm>> -> memref<128xi32, #tpu.memory_space<hbm>>
      %dma_wait3A_63 = tpu.memref_slice %arg4[%add3A_48] : memref<323584xi32, #tpu.memory_space<hbm>> -> memref<128xi32, #tpu.memory_space<hbm>>
      tpu.wait_dma2 semaphore(%run_scoped3A : memref<!tpu.dma_semaphore, #tpu.memory_space<semaphore_mem>>) src(%dma_wait3A_63 : memref<128xi32, #tpu.memory_space<hbm>>) dst(%arg9 : memref<128xi32, #tpu.memory_space<vmem>>)
      tpu.yield
    }) : () -> ()
    %dma_start3A_49 = arith.constant 0 : i32
    %dma_start3A_50 = arith.constant 0 : i32
    %dma_start3A_51 = tpu.memref_slice %arg2[%dma_start3A_49, %dma_start3A_50] : memref<10240x128xf32, #tpu.memory_space<hbm>> -> memref<10240x128xf32, #tpu.memory_space<hbm>>
    tpu.enqueue_indirect_dma source(%dma_start3A_51 : memref<10240x128xf32, #tpu.memory_space<hbm>>) target(%arg11 : memref<128x128xf32, #tpu.memory_space<vmem>>) offsets(%arg7 : memref<128xi32, #tpu.memory_space<vmem>>) semaphore(%arg13 : memref<!tpu.dma_semaphore, #tpu.memory_space<semaphore_mem>>)
    %dma_wait3A_52 = arith.constant 0 : i32
    %dma_wait3A_53 = arith.constant 0 : i32
    %dma_wait3A_54 = tpu.memref_slice %arg2[%dma_wait3A_52, %dma_wait3A_53] : memref<10240x128xf32, #tpu.memory_space<hbm>> -> memref<10240x128xf32, #tpu.memory_space<hbm>>
    tpu.wait_indirect_dma semaphore(%arg13 : memref<!tpu.dma_semaphore, #tpu.memory_space<semaphore_mem>>) src(%dma_wait3A_54 : memref<10240x128xf32, #tpu.memory_space<hbm>>) dst(%arg11 : memref<128x128xf32, #tpu.memory_space<vmem>>)
    "tpu.region"() ({
      %run_scoped3A = tpu.sem_alloc : memref<!tpu.dma_semaphore, #tpu.memory_space<semaphore_mem>>
      %dma_start3A_60 = arith.constant 0 : i32
      %dma_start3A_61 = arith.constant 0 : i32
      %dma_start3A_62 = tpu.memref_slice %arg17[%dma_start3A_60, %dma_start3A_61] : memref<10240x128xf32, #tpu.memory_space<vmem_shared>> -> memref<10240x128xf32, #tpu.memory_space<vmem_shared>>
      tpu.enqueue_indirect_dma source(%arg11 : memref<128x128xf32, #tpu.memory_space<vmem>>) target(%dma_start3A_62 : memref<10240x128xf32, #tpu.memory_space<vmem_shared>>) offsets(%arg9 : memref<128xi32, #tpu.memory_space<vmem>>) semaphore(%run_scoped3A : memref<!tpu.dma_semaphore, #tpu.memory_space<semaphore_mem>>) {add = true}
      %dma_wait3A_63 = arith.constant 0 : i32
      %dma_wait3A_64 = arith.constant 0 : i32
      %dma_wait3A_65 = tpu.memref_slice %arg17[%dma_wait3A_63, %dma_wait3A_64] : memref<10240x128xf32, #tpu.memory_space<vmem_shared>> -> memref<10240x128xf32, #tpu.memory_space<vmem_shared>>
      tpu.wait_indirect_dma semaphore(%run_scoped3A : memref<!tpu.dma_semaphore, #tpu.memory_space<semaphore_mem>>) src(%arg11 : memref<128x128xf32, #tpu.memory_space<vmem>>) dst(%dma_wait3A_65 : memref<10240x128xf32, #tpu.memory_space<vmem_shared>>)
      tpu.yield
    }) : () -> ()
    %barrier3A_55 = arith.constant 0 : index
    tpu.barrier barrier_id(%barrier3A_55)
    %mul3A_56 = arith.constant 640 : i32
    %mul3A_57 = arith.muli %arg1, %mul3A_56 : i32
    %mul3A_58 = arith.constant 640 : i32
    %mul3A_59 = arith.muli %arg1, %mul3A_58 : i32
    "tpu.region"() ({
      %run_scoped3A = tpu.sem_alloc : memref<!tpu.dma_semaphore, #tpu.memory_space<semaphore_mem>>
      %dma_start3A_60 = arith.constant 0 : i32
      %dma_start3A_61 = tpu.memref_slice %arg6[%arg0, %mul3A_59, %dma_start3A_60] : memref<2x10240x128xf32, #tpu.memory_space<hbm>> -> memref<1x640x128xf32, #tpu.memory_space<hbm>>
      %dma_start3A_62 = tpu.memref_squeeze %dma_start3A_61 : memref<1x640x128xf32, #tpu.memory_space<hbm>> -> memref<640x128xf32, #tpu.memory_space<hbm>>
      %dma_start3A_63 = arith.constant 0 : i32
      %dma_start3A_64 = tpu.memref_slice %arg17[%mul3A_57, %dma_start3A_63] : memref<10240x128xf32, #tpu.memory_space<vmem_shared>> -> memref<640x128xf32, #tpu.memory_space<vmem_shared>>
      tpu.enqueue_dma source(%dma_start3A_64 : memref<640x128xf32, #tpu.memory_space<vmem_shared>>) target(%dma_start3A_62 : memref<640x128xf32, #tpu.memory_space<hbm>>) target_semaphore(%run_scoped3A : memref<!tpu.dma_semaphore, #tpu.memory_space<semaphore_mem>>)
      %dma_wait3A_65 = arith.constant 0 : i32
      %dma_wait3A_66 = tpu.memref_slice %arg6[%arg0, %mul3A_59, %dma_wait3A_65] : memref<2x10240x128xf32, #tpu.memory_space<hbm>> -> memref<1x640x128xf32, #tpu.memory_space<hbm>>
      %dma_wait3A_67 = tpu.memref_squeeze %dma_wait3A_66 : memref<1x640x128xf32, #tpu.memory_space<hbm>> -> memref<640x128xf32, #tpu.memory_space<hbm>>
      %dma_wait3A_68 = arith.constant 0 : i32
      %dma_wait3A_69 = tpu.memref_slice %arg17[%mul3A_57, %dma_wait3A_68] : memref<10240x128xf32, #tpu.memory_space<vmem_shared>> -> memref<640x128xf32, #tpu.memory_space<vmem_shared>>
      tpu.wait_dma2 semaphore(%run_scoped3A : memref<!tpu.dma_semaphore, #tpu.memory_space<semaphore_mem>>) src(%dma_wait3A_69 : memref<640x128xf32, #tpu.memory_space<vmem_shared>>) dst(%dma_wait3A_67 : memref<640x128xf32, #tpu.memory_space<hbm>>)
      tpu.yield
    }) : () -> ()
    return
  }
}

#map = affine_map<(d0, d1) -> (0)>
#map1 = affine_map<(d0, d1) -> (0, 0)>
module attributes {stable_mosaic.version = 14 : i64} {
  func.func @_deg_kernel(%arg0: i32, %arg1: i32, %arg2: memref<323584xi32, #tpu.memory_space<hbm>>, %arg3: memref<10240xf32, #tpu.memory_space<hbm>>, %arg4: memref<2x10240xf32, #tpu.memory_space<hbm>>, %arg5: memref<128xi32, #tpu.memory_space<vmem>>, %arg6: memref<128xi32, #tpu.memory_space<vmem>>, %arg7: memref<128xf32, #tpu.memory_space<vmem>>, %arg8: memref<!tpu.dma_semaphore, #tpu.memory_space<semaphore_mem>>, %arg9: memref<!tpu.dma_semaphore, #tpu.memory_space<semaphore_mem>>, %arg10: memref<10240xf32, #tpu.memory_space<vmem_shared>>) attributes {dimension_semantics = [#tpu.dimension_semantics<core_parallel>, #tpu.dimension_semantics<subcore_parallel>], iteration_bounds = array<i64: 2, 16>, scalar_prefetch = 0 : i64, scratch_operands = 6 : i64, tpu.core_type = #tpu.core_type<sc_vector_subcore>, window_params = [{transform_indices = #map}, {transform_indices = #map}, {transform_indices = #map1}]} {
    %mul3A = arith.constant 2 : i32
    %mul3A_0 = arith.muli %arg1, %mul3A : i32
    %add3A = arith.addi %mul3A_0, %arg0 : i32
    %broadcast_in_dim3A = arith.constant 1.000000e+00 : f32
    %broadcast_in_dim3A_1 = vector.broadcast %broadcast_in_dim3A : f32 to vector<16xf32>
    %swap3A = arith.constant 0 : index
    %swap3A_2 = tpu.vector_load %arg7[%swap3A] {strides = array<i32>} : memref<128xf32, #tpu.memory_space<vmem>>, vector<16xf32>,
    %swap3A_3 = vector.shape_cast %swap3A_2 : vector<16xf32> to vector<16xf32>
    %swap3A_4 = vector.shape_cast %broadcast_in_dim3A_1 : vector<16xf32> to vector<16xf32>
    tpu.vector_store %arg7[%swap3A], %swap3A_4 {strides = array<i32>} : memref<128xf32, #tpu.memory_space<vmem>>, vector<16xf32>,
    %broadcast_in_dim3A_5 = arith.constant 1.000000e+00 : f32
    %broadcast_in_dim3A_6 = vector.broadcast %broadcast_in_dim3A_5 : f32 to vector<16xf32>
    %swap3A_7 = arith.constant 16 : index
    %swap3A_8 = tpu.vector_load %arg7[%swap3A_7] {strides = array<i32>} : memref<128xf32, #tpu.memory_space<vmem>>, vector<16xf32>,
    %swap3A_9 = vector.shape_cast %swap3A_8 : vector<16xf32> to vector<16xf32>
    %swap3A_10 = vector.shape_cast %broadcast_in_dim3A_6 : vector<16xf32> to vector<16xf32>
    tpu.vector_store %arg7[%swap3A_7], %swap3A_10 {strides = array<i32>} : memref<128xf32, #tpu.memory_space<vmem>>, vector<16xf32>,
    %broadcast_in_dim3A_11 = arith.constant 1.000000e+00 : f32
    %broadcast_in_dim3A_12 = vector.broadcast %broadcast_in_dim3A_11 : f32 to vector<16xf32>
    %swap3A_13 = arith.constant 32 : index
    %swap3A_14 = tpu.vector_load %arg7[%swap3A_13] {strides = array<i32>} : memref<128xf32, #tpu.memory_space<vmem>>, vector<16xf32>,
    %swap3A_15 = vector.shape_cast %swap3A_14 : vector<16xf32> to vector<16xf32>
    %swap3A_16 = vector.shape_cast %broadcast_in_dim3A_12 : vector<16xf32> to vector<16xf32>
    tpu.vector_store %arg7[%swap3A_13], %swap3A_16 {strides = array<i32>} : memref<128xf32, #tpu.memory_space<vmem>>, vector<16xf32>,
    %broadcast_in_dim3A_17 = arith.constant 1.000000e+00 : f32
    %broadcast_in_dim3A_18 = vector.broadcast %broadcast_in_dim3A_17 : f32 to vector<16xf32>
    %swap3A_19 = arith.constant 48 : index
    %swap3A_20 = tpu.vector_load %arg7[%swap3A_19] {strides = array<i32>} : memref<128xf32, #tpu.memory_space<vmem>>, vector<16xf32>,
    %swap3A_21 = vector.shape_cast %swap3A_20 : vector<16xf32> to vector<16xf32>
    %swap3A_22 = vector.shape_cast %broadcast_in_dim3A_18 : vector<16xf32> to vector<16xf32>
    tpu.vector_store %arg7[%swap3A_19], %swap3A_22 {strides = array<i32>} : memref<128xf32, #tpu.memory_space<vmem>>, vector<16xf32>,
    %broadcast_in_dim3A_23 = arith.constant 1.000000e+00 : f32
    %broadcast_in_dim3A_24 = vector.broadcast %broadcast_in_dim3A_23 : f32 to vector<16xf32>
    %swap3A_25 = arith.constant 64 : index
    %swap3A_26 = tpu.vector_load %arg7[%swap3A_25] {strides = array<i32>} : memref<128xf32, #tpu.memory_space<vmem>>, vector<16xf32>,
    %swap3A_27 = vector.shape_cast %swap3A_26 : vector<16xf32> to vector<16xf32>
    %swap3A_28 = vector.shape_cast %broadcast_in_dim3A_24 : vector<16xf32> to vector<16xf32>
    tpu.vector_store %arg7[%swap3A_25], %swap3A_28 {strides = array<i32>} : memref<128xf32, #tpu.memory_space<vmem>>, vector<16xf32>,
    %broadcast_in_dim3A_29 = arith.constant 1.000000e+00 : f32
    %broadcast_in_dim3A_30 = vector.broadcast %broadcast_in_dim3A_29 : f32 to vector<16xf32>
    %swap3A_31 = arith.constant 80 : index
    %swap3A_32 = tpu.vector_load %arg7[%swap3A_31] {strides = array<i32>} : memref<128xf32, #tpu.memory_space<vmem>>, vector<16xf32>,
    %swap3A_33 = vector.shape_cast %swap3A_32 : vector<16xf32> to vector<16xf32>
    %swap3A_34 = vector.shape_cast %broadcast_in_dim3A_30 : vector<16xf32> to vector<16xf32>
    tpu.vector_store %arg7[%swap3A_31], %swap3A_34 {strides = array<i32>} : memref<128xf32, #tpu.memory_space<vmem>>, vector<16xf32>,
    %broadcast_in_dim3A_35 = arith.constant 1.000000e+00 : f32
    %broadcast_in_dim3A_36 = vector.broadcast %broadcast_in_dim3A_35 : f32 to vector<16xf32>
    %swap3A_37 = arith.constant 96 : index
    %swap3A_38 = tpu.vector_load %arg7[%swap3A_37] {strides = array<i32>} : memref<128xf32, #tpu.memory_space<vmem>>, vector<16xf32>,
    %swap3A_39 = vector.shape_cast %swap3A_38 : vector<16xf32> to vector<16xf32>
    %swap3A_40 = vector.shape_cast %broadcast_in_dim3A_36 : vector<16xf32> to vector<16xf32>
    tpu.vector_store %arg7[%swap3A_37], %swap3A_40 {strides = array<i32>} : memref<128xf32, #tpu.memory_space<vmem>>, vector<16xf32>,
    %broadcast_in_dim3A_41 = arith.constant 1.000000e+00 : f32
    %broadcast_in_dim3A_42 = vector.broadcast %broadcast_in_dim3A_41 : f32 to vector<16xf32>
    %swap3A_43 = arith.constant 112 : index
    %swap3A_44 = tpu.vector_load %arg7[%swap3A_43] {strides = array<i32>} : memref<128xf32, #tpu.memory_space<vmem>>, vector<16xf32>,
    %swap3A_45 = vector.shape_cast %swap3A_44 : vector<16xf32> to vector<16xf32>
    %swap3A_46 = vector.shape_cast %broadcast_in_dim3A_42 : vector<16xf32> to vector<16xf32>
    tpu.vector_store %arg7[%swap3A_43], %swap3A_46 {strides = array<i32>} : memref<128xf32, #tpu.memory_space<vmem>>, vector<16xf32>,
    %mul3A_47 = arith.constant 640 : i32
    %mul3A_48 = arith.muli %arg1, %mul3A_47 : i32
    %mul3A_49 = arith.constant 640 : i32
    %mul3A_50 = arith.muli %arg1, %mul3A_49 : i32
    "tpu.region"() ({
      %run_scoped3A = tpu.sem_alloc : memref<!tpu.dma_semaphore, #tpu.memory_space<semaphore_mem>>
      %dma_start3A_77 = tpu.memref_slice %arg10[%mul3A_50] : memref<10240xf32, #tpu.memory_space<vmem_shared>> -> memref<640xf32, #tpu.memory_space<vmem_shared>>
      %dma_start3A_78 = tpu.memref_slice %arg3[%mul3A_48] : memref<10240xf32, #tpu.memory_space<hbm>> -> memref<640xf32, #tpu.memory_space<hbm>>
      tpu.enqueue_dma source(%dma_start3A_78 : memref<640xf32, #tpu.memory_space<hbm>>) target(%dma_start3A_77 : memref<640xf32, #tpu.memory_space<vmem_shared>>) target_semaphore(%run_scoped3A : memref<!tpu.dma_semaphore, #tpu.memory_space<semaphore_mem>>)
      %dma_wait3A_79 = tpu.memref_slice %arg10[%mul3A_50] : memref<10240xf32, #tpu.memory_space<vmem_shared>> -> memref<640xf32, #tpu.memory_space<vmem_shared>>
      %dma_wait3A_80 = tpu.memref_slice %arg3[%mul3A_48] : memref<10240xf32, #tpu.memory_space<hbm>> -> memref<640xf32, #tpu.memory_space<hbm>>
      tpu.wait_dma2 semaphore(%run_scoped3A : memref<!tpu.dma_semaphore, #tpu.memory_space<semaphore_mem>>) src(%dma_wait3A_80 : memref<640xf32, #tpu.memory_space<hbm>>) dst(%dma_wait3A_79 : memref<640xf32, #tpu.memory_space<vmem_shared>>)
      tpu.yield
    }) : () -> ()
    %barrier3A = arith.constant 0 : index
    tpu.barrier barrier_id(%barrier3A)
    %mul3A_51 = arith.constant 10112 : i32
    %mul3A_52 = arith.muli %add3A, %mul3A_51 : i32
    %add3A_53 = arith.constant 0 : i32
    %add3A_54 = arith.addi %mul3A_52, %add3A_53 : i32
    %dma_start3A = tpu.memref_slice %arg2[%add3A_54] : memref<323584xi32, #tpu.memory_space<hbm>> -> memref<128xi32, #tpu.memory_space<hbm>>
    %dma_start3A_55 = tpu.memref_slice %arg2[%add3A_54] : memref<323584xi32, #tpu.memory_space<hbm>> -> memref<128xi32, #tpu.memory_space<hbm>>
    tpu.enqueue_dma source(%dma_start3A_55 : memref<128xi32, #tpu.memory_space<hbm>>) target(%arg5 : memref<128xi32, #tpu.memory_space<vmem>>) target_semaphore(%arg8 : memref<!tpu.dma_semaphore, #tpu.memory_space<semaphore_mem>>)
    %scan3A = arith.constant 0 : i32
    %scan3A_56 = arith.constant 0 : i32
    %scan3A_57 = arith.constant 39 : i32
    %scan3A_58 = arith.addi %scan3A_56, %scan3A_57 : i32
    %scan3A_59 = arith.constant 1 : i32
    scf.for %scan3A_77 = %scan3A_56 to %scan3A_58 step %scan3A_59  : i32 {
      %mul3A_78 = arith.constant 2 : i32
      %mul3A_79 = arith.muli %mul3A_78, %scan3A_77 : i32
      %mul3A_80 = arith.constant 2 : i32
      %mul3A_81 = arith.muli %mul3A_80, %scan3A_77 : i32
      %add3A_82 = arith.constant 1 : i32
      %add3A_83 = arith.addi %mul3A_81, %add3A_82 : i32
      %mul3A_84 = arith.constant 10112 : i32
      %mul3A_85 = arith.muli %add3A, %mul3A_84 : i32
      %mul3A_86 = arith.constant 128 : i32
      %mul3A_87 = arith.muli %add3A_83, %mul3A_86 : i32
      %add3A_88 = arith.addi %mul3A_85, %mul3A_87 : i32
      %dma_start3A_89 = tpu.memref_slice %arg2[%add3A_88] : memref<323584xi32, #tpu.memory_space<hbm>> -> memref<128xi32, #tpu.memory_space<hbm>>
      %dma_start3A_90 = tpu.memref_slice %arg2[%add3A_88] : memref<323584xi32, #tpu.memory_space<hbm>> -> memref<128xi32, #tpu.memory_space<hbm>>
      tpu.enqueue_dma source(%dma_start3A_90 : memref<128xi32, #tpu.memory_space<hbm>>) target(%arg6 : memref<128xi32, #tpu.memory_space<vmem>>) target_semaphore(%arg9 : memref<!tpu.dma_semaphore, #tpu.memory_space<semaphore_mem>>)
      %mul3A_91 = arith.constant 10112 : i32
      %mul3A_92 = arith.muli %add3A, %mul3A_91 : i32
      %mul3A_93 = arith.constant 128 : i32
      %mul3A_94 = arith.muli %mul3A_79, %mul3A_93 : i32
      %add3A_95 = arith.addi %mul3A_92, %mul3A_94 : i32
      %dma_wait3A_96 = tpu.memref_slice %arg2[%add3A_95] : memref<323584xi32, #tpu.memory_space<hbm>> -> memref<128xi32, #tpu.memory_space<hbm>>
      %dma_wait3A_97 = tpu.memref_slice %arg2[%add3A_95] : memref<323584xi32, #tpu.memory_space<hbm>> -> memref<128xi32, #tpu.memory_space<hbm>>
      tpu.wait_dma2 semaphore(%arg8 : memref<!tpu.dma_semaphore, #tpu.memory_space<semaphore_mem>>) src(%dma_wait3A_97 : memref<128xi32, #tpu.memory_space<hbm>>) dst(%arg5 : memref<128xi32, #tpu.memory_space<vmem>>)
      "tpu.region"() ({
        %run_scoped3A = tpu.sem_alloc : memref<!tpu.dma_semaphore, #tpu.memory_space<semaphore_mem>>
        %dma_start3A_107 = arith.constant 0 : i32
        %dma_start3A_108 = tpu.memref_slice %arg10[%dma_start3A_107] : memref<10240xf32, #tpu.memory_space<vmem_shared>> -> memref<10240xf32, #tpu.memory_space<vmem_shared>>
        tpu.enqueue_indirect_dma source(%arg7 : memref<128xf32, #tpu.memory_space<vmem>>) target(%dma_start3A_108 : memref<10240xf32, #tpu.memory_space<vmem_shared>>) offsets(%arg5 : memref<128xi32, #tpu.memory_space<vmem>>) semaphore(%run_scoped3A : memref<!tpu.dma_semaphore, #tpu.memory_space<semaphore_mem>>) {add = true}
        %dma_wait3A_109 = arith.constant 0 : i32
        %dma_wait3A_110 = tpu.memref_slice %arg10[%dma_wait3A_109] : memref<10240xf32, #tpu.memory_space<vmem_shared>> -> memref<10240xf32, #tpu.memory_space<vmem_shared>>
        tpu.wait_indirect_dma semaphore(%run_scoped3A : memref<!tpu.dma_semaphore, #tpu.memory_space<semaphore_mem>>) src(%arg7 : memref<128xf32, #tpu.memory_space<vmem>>) dst(%dma_wait3A_110 : memref<10240xf32, #tpu.memory_space<vmem_shared>>)
        tpu.yield
      }) : () -> ()
      %lt3A = arith.constant 38 : i32
      %lt3A_98 = arith.cmpi slt, %scan3A_77, %lt3A : i32
      %convert_element_type3A = arith.extui %lt3A_98 : i1 to i32
      %cond3A = arith.constant 0 : i32
      %cond3A_99 = arith.cmpi ne, %convert_element_type3A, %cond3A : i32
      scf.if %cond3A_99 {
        %add3A_107 = arith.constant 1 : i32
        %add3A_108 = arith.addi %add3A_83, %add3A_107 : i32
        %mul3A_109 = arith.constant 10112 : i32
        %mul3A_110 = arith.muli %add3A, %mul3A_109 : i32
        %mul3A_111 = arith.constant 128 : i32
        %mul3A_112 = arith.muli %add3A_108, %mul3A_111 : i32
        %add3A_113 = arith.addi %mul3A_110, %mul3A_112 : i32
        %dma_start3A_114 = tpu.memref_slice %arg2[%add3A_113] : memref<323584xi32, #tpu.memory_space<hbm>> -> memref<128xi32, #tpu.memory_space<hbm>>
        %dma_start3A_115 = tpu.memref_slice %arg2[%add3A_113] : memref<323584xi32, #tpu.memory_space<hbm>> -> memref<128xi32, #tpu.memory_space<hbm>>
        tpu.enqueue_dma source(%dma_start3A_115 : memref<128xi32, #tpu.memory_space<hbm>>) target(%arg5 : memref<128xi32, #tpu.memory_space<vmem>>) target_semaphore(%arg8 : memref<!tpu.dma_semaphore, #tpu.memory_space<semaphore_mem>>)
      } else {
      }
      %mul3A_100 = arith.constant 10112 : i32
      %mul3A_101 = arith.muli %add3A, %mul3A_100 : i32
      %mul3A_102 = arith.constant 128 : i32
      %mul3A_103 = arith.muli %add3A_83, %mul3A_102 : i32
      %add3A_104 = arith.addi %mul3A_101, %mul3A_103 : i32
      %dma_wait3A_105 = tpu.memref_slice %arg2[%add3A_104] : memref<323584xi32, #tpu.memory_space<hbm>> -> memref<128xi32, #tpu.memory_space<hbm>>
      %dma_wait3A_106 = tpu.memref_slice %arg2[%add3A_104] : memref<323584xi32, #tpu.memory_space<hbm>> -> memref<128xi32, #tpu.memory_space<hbm>>
      tpu.wait_dma2 semaphore(%arg9 : memref<!tpu.dma_semaphore, #tpu.memory_space<semaphore_mem>>) src(%dma_wait3A_106 : memref<128xi32, #tpu.memory_space<hbm>>) dst(%arg6 : memref<128xi32, #tpu.memory_space<vmem>>)
      "tpu.region"() ({
        %run_scoped3A = tpu.sem_alloc : memref<!tpu.dma_semaphore, #tpu.memory_space<semaphore_mem>>
        %dma_start3A_107 = arith.constant 0 : i32
        %dma_start3A_108 = tpu.memref_slice %arg10[%dma_start3A_107] : memref<10240xf32, #tpu.memory_space<vmem_shared>> -> memref<10240xf32, #tpu.memory_space<vmem_shared>>
        tpu.enqueue_indirect_dma source(%arg7 : memref<128xf32, #tpu.memory_space<vmem>>) target(%dma_start3A_108 : memref<10240xf32, #tpu.memory_space<vmem_shared>>) offsets(%arg6 : memref<128xi32, #tpu.memory_space<vmem>>) semaphore(%run_scoped3A : memref<!tpu.dma_semaphore, #tpu.memory_space<semaphore_mem>>) {add = true}
        %dma_wait3A_109 = arith.constant 0 : i32
        %dma_wait3A_110 = tpu.memref_slice %arg10[%dma_wait3A_109] : memref<10240xf32, #tpu.memory_space<vmem_shared>> -> memref<10240xf32, #tpu.memory_space<vmem_shared>>
        tpu.wait_indirect_dma semaphore(%run_scoped3A : memref<!tpu.dma_semaphore, #tpu.memory_space<semaphore_mem>>) src(%arg7 : memref<128xf32, #tpu.memory_space<vmem>>) dst(%dma_wait3A_110 : memref<10240xf32, #tpu.memory_space<vmem_shared>>)
        tpu.yield
      }) : () -> ()
    }
    %scan3A_60 = arith.constant 39 : i32
    %mul3A_61 = arith.constant 10112 : i32
    %mul3A_62 = arith.muli %add3A, %mul3A_61 : i32
    %add3A_63 = arith.constant 9984 : i32
    %add3A_64 = arith.addi %mul3A_62, %add3A_63 : i32
    %dma_start3A_65 = tpu.memref_slice %arg2[%add3A_64] : memref<323584xi32, #tpu.memory_space<hbm>> -> memref<128xi32, #tpu.memory_space<hbm>>
    %dma_start3A_66 = tpu.memref_slice %arg2[%add3A_64] : memref<323584xi32, #tpu.memory_space<hbm>> -> memref<128xi32, #tpu.memory_space<hbm>>
    tpu.enqueue_dma source(%dma_start3A_66 : memref<128xi32, #tpu.memory_space<hbm>>) target(%arg5 : memref<128xi32, #tpu.memory_space<vmem>>) target_semaphore(%arg8 : memref<!tpu.dma_semaphore, #tpu.memory_space<semaphore_mem>>)
    %mul3A_67 = arith.constant 10112 : i32
    %mul3A_68 = arith.muli %add3A, %mul3A_67 : i32
    %add3A_69 = arith.constant 9984 : i32
    %add3A_70 = arith.addi %mul3A_68, %add3A_69 : i32
    %dma_wait3A = tpu.memref_slice %arg2[%add3A_70] : memref<323584xi32, #tpu.memory_space<hbm>> -> memref<128xi32, #tpu.memory_space<hbm>>
    %dma_wait3A_71 = tpu.memref_slice %arg2[%add3A_70] : memref<323584xi32, #tpu.memory_space<hbm>> -> memref<128xi32, #tpu.memory_space<hbm>>
    tpu.wait_dma2 semaphore(%arg8 : memref<!tpu.dma_semaphore, #tpu.memory_space<semaphore_mem>>) src(%dma_wait3A_71 : memref<128xi32, #tpu.memory_space<hbm>>) dst(%arg5 : memref<128xi32, #tpu.memory_space<vmem>>)
    "tpu.region"() ({
      %run_scoped3A = tpu.sem_alloc : memref<!tpu.dma_semaphore, #tpu.memory_space<semaphore_mem>>
      %dma_start3A_77 = arith.constant 0 : i32
      %dma_start3A_78 = tpu.memref_slice %arg10[%dma_start3A_77] : memref<10240xf32, #tpu.memory_space<vmem_shared>> -> memref<10240xf32, #tpu.memory_space<vmem_shared>>
      tpu.enqueue_indirect_dma source(%arg7 : memref<128xf32, #tpu.memory_space<vmem>>) target(%dma_start3A_78 : memref<10240xf32, #tpu.memory_space<vmem_shared>>) offsets(%arg5 : memref<128xi32, #tpu.memory_space<vmem>>) semaphore(%run_scoped3A : memref<!tpu.dma_semaphore, #tpu.memory_space<semaphore_mem>>) {add = true}
      %dma_wait3A_79 = arith.constant 0 : i32
      %dma_wait3A_80 = tpu.memref_slice %arg10[%dma_wait3A_79] : memref<10240xf32, #tpu.memory_space<vmem_shared>> -> memref<10240xf32, #tpu.memory_space<vmem_shared>>
      tpu.wait_indirect_dma semaphore(%run_scoped3A : memref<!tpu.dma_semaphore, #tpu.memory_space<semaphore_mem>>) src(%arg7 : memref<128xf32, #tpu.memory_space<vmem>>) dst(%dma_wait3A_80 : memref<10240xf32, #tpu.memory_space<vmem_shared>>)
      tpu.yield
    }) : () -> ()
    %barrier3A_72 = arith.constant 0 : index
    tpu.barrier barrier_id(%barrier3A_72)
    %mul3A_73 = arith.constant 640 : i32
    %mul3A_74 = arith.muli %arg1, %mul3A_73 : i32
    %mul3A_75 = arith.constant 640 : i32
    %mul3A_76 = arith.muli %arg1, %mul3A_75 : i32
    "tpu.region"() ({
      %run_scoped3A = tpu.sem_alloc : memref<!tpu.dma_semaphore, #tpu.memory_space<semaphore_mem>>
      %dma_start3A_77 = tpu.memref_slice %arg4[%arg0, %mul3A_76] : memref<2x10240xf32, #tpu.memory_space<hbm>> -> memref<1x640xf32, #tpu.memory_space<hbm>>
      %dma_start3A_78 = tpu.memref_squeeze %dma_start3A_77 : memref<1x640xf32, #tpu.memory_space<hbm>> -> memref<640xf32, #tpu.memory_space<hbm>>
      %dma_start3A_79 = tpu.memref_slice %arg10[%mul3A_74] : memref<10240xf32, #tpu.memory_space<vmem_shared>> -> memref<640xf32, #tpu.memory_space<vmem_shared>>
      tpu.enqueue_dma source(%dma_start3A_79 : memref<640xf32, #tpu.memory_space<vmem_shared>>) target(%dma_start3A_78 : memref<640xf32, #tpu.memory_space<hbm>>) target_semaphore(%run_scoped3A : memref<!tpu.dma_semaphore, #tpu.memory_space<semaphore_mem>>)
      %dma_wait3A_80 = tpu.memref_slice %arg4[%arg0, %mul3A_76] : memref<2x10240xf32, #tpu.memory_space<hbm>> -> memref<1x640xf32, #tpu.memory_space<hbm>>
      %dma_wait3A_81 = tpu.memref_squeeze %dma_wait3A_80 : memref<1x640xf32, #tpu.memory_space<hbm>> -> memref<640xf32, #tpu.memory_space<hbm>>
      %dma_wait3A_82 = tpu.memref_slice %arg10[%mul3A_74] : memref<10240xf32, #tpu.memory_space<vmem_shared>> -> memref<640xf32, #tpu.memory_space<vmem_shared>>
      tpu.wait_dma2 semaphore(%run_scoped3A : memref<!tpu.dma_semaphore, #tpu.memory_space<semaphore_mem>>) src(%dma_wait3A_82 : memref<640xf32, #tpu.memory_space<vmem_shared>>) dst(%dma_wait3A_81 : memref<640xf32, #tpu.memory_space<hbm>>)
      tpu.yield
    }) : () -> ()
    return
  }
}

module attributes {stable_mosaic.version = 14 : i64} {
  func.func @_mm_body(%arg0: i32, %arg1: memref<512x128xf32, #tpu.memory_space<vmem>>, %arg2: memref<128x128xf32, #tpu.memory_space<vmem>>, %arg3: memref<512x1xf32, #tpu.memory_space<vmem>>, %arg4: memref<512x1xf32, #tpu.memory_space<vmem>>, %arg5: memref<512x128xf32, #tpu.memory_space<vmem>>) attributes {dimension_semantics = [#tpu.dimension_semantics<arbitrary>], iteration_bounds = array<i64: 20>, scalar_prefetch = 0 : i64, scratch_operands = 0 : i64, tpu.core_type = #tpu.core_type<tc>, window_params = [{transform_indices = @transform_0, window_bounds = array<i64: 512, 128>}, {pipeline_mode = #tpu.pipeline_mode<synchronous>, transform_indices = @transform_1, window_bounds = array<i64: 128, 128>}, {transform_indices = @transform_2, window_bounds = array<i64: 512, 1>}, {transform_indices = @transform_3, window_bounds = array<i64: 512, 1>}, {transform_indices = @transform_4, window_bounds = array<i64: 512, 128>}]} {
    %get3A = arith.constant 0 : index
    %get3A_0 = arith.constant 0 : index
    %get3A_1 = vector.load %arg3[%get3A, %get3A_0] : memref<512x1xf32, #tpu.memory_space<vmem>>, vector<512x1xf32>
    %add3A = arith.constant 1.000000e+00 : f32
    %add3A_2 = vector.broadcast %add3A : f32 to vector<512x1xf32>
    %add3A_3 = arith.addf %add3A_2, %get3A_1 : vector<512x1xf32>
    %get3A_4 = arith.constant 0 : index
    %get3A_5 = arith.constant 0 : index
    %get3A_6 = vector.load %arg4[%get3A_4, %get3A_5] : memref<512x1xf32, #tpu.memory_space<vmem>>, vector<512x1xf32>
    %add3A_7 = arith.addf %add3A_3, %get3A_6 : vector<512x1xf32>
    %rsqrt3A = math.rsqrt %add3A_7 : vector<512x1xf32>
    %get3A_8 = arith.constant 0 : index
    %get3A_9 = arith.constant 0 : index
    %get3A_10 = vector.load %arg1[%get3A_8, %get3A_9] : memref<512x128xf32, #tpu.memory_space<vmem>>, vector<512x128xf32>
    %get3A_11 = arith.constant 0 : index
    %get3A_12 = arith.constant 0 : index
    %get3A_13 = vector.load %arg2[%get3A_11, %get3A_12] : memref<128x128xf32, #tpu.memory_space<vmem>>, vector<128x128xf32>
    %dot_general3A = arith.constant dense<0.000000e+00> : vector<512x128xf32>
    %dot_general3A_14 = tpu.matmul %get3A_10, %get3A_13, %dot_general3A {dimension_numbers = #tpu.dot_dimension_numbers<[1], [0], [0], [1], [0, 0, 1, 1], [], []>, transpose_lhs_hint = false} : vector<512x128xf32>, vector<128x128xf32>, vector<512x128xf32> -> vector<512x128xf32>
    %mul3A = vector.broadcast %rsqrt3A : vector<512x1xf32> to vector<512x128xf32>
    %mul3A_15 = arith.mulf %dot_general3A_14, %mul3A : vector<512x128xf32>
    %swap3A = arith.constant 0 : index
    %swap3A_16 = arith.constant 0 : index
    %swap3A_17 = vector.load %arg5[%swap3A, %swap3A_16] : memref<512x128xf32, #tpu.memory_space<vmem>>, vector<512x128xf32>
    tpu.vector_store %arg5[%swap3A, %swap3A_16], %mul3A_15 {strides = array<i32>} : memref<512x128xf32, #tpu.memory_space<vmem>>, vector<512x128xf32>,
    return
  }
  func.func @transform_0(%arg0: i32) -> (i32, i32) {
    %c0_i32 = arith.constant 0 : i32
    %c0_i32_0 = arith.constant 0 : i32
    return %arg0, %c0_i32 : i32, i32
  }
  func.func @transform_1(%arg0: i32) -> (i32, i32) {
    %c0_i32 = arith.constant 0 : i32
    %c0_i32_0 = arith.constant 0 : i32
    %c0_i32_1 = arith.constant 0 : i32
    return %c0_i32, %c0_i32_0 : i32, i32
  }
  func.func @transform_2(%arg0: i32) -> (i32, i32) {
    %c0_i32 = arith.constant 0 : i32
    %c0_i32_0 = arith.constant 0 : i32
    return %arg0, %c0_i32 : i32, i32
  }
  func.func @transform_3(%arg0: i32) -> (i32, i32) {
    %c0_i32 = arith.constant 0 : i32
    %c0_i32_0 = arith.constant 0 : i32
    return %arg0, %c0_i32 : i32, i32
  }
  func.func @transform_4(%arg0: i32) -> (i32, i32) {
    %c0_i32 = arith.constant 0 : i32
    %c0_i32_0 = arith.constant 0 : i32
    return %arg0, %c0_i32 : i32, i32
  }
}

module attributes {stable_mosaic.version = 14 : i64} {
  func.func @_comb_body(%arg0: i32, %arg1: memref<512x128xf32, #tpu.memory_space<vmem>>, %arg2: memref<512x128xf32, #tpu.memory_space<vmem>>, %arg3: memref<512x128xf32, #tpu.memory_space<vmem>>, %arg4: memref<512x1xf32, #tpu.memory_space<vmem>>, %arg5: memref<512x1xf32, #tpu.memory_space<vmem>>, %arg6: memref<1x128xf32, #tpu.memory_space<vmem>>, %arg7: memref<1x128xf32, #tpu.memory_space<vmem>>, %arg8: memref<1x128xf32, #tpu.memory_space<vmem>>, %arg9: memref<512x128xf32, #tpu.memory_space<vmem>>) attributes {dimension_semantics = [#tpu.dimension_semantics<arbitrary>], iteration_bounds = array<i64: 20>, scalar_prefetch = 0 : i64, scratch_operands = 0 : i64, tpu.core_type = #tpu.core_type<tc>, window_params = [{transform_indices = @transform_0, window_bounds = array<i64: 512, 128>}, {transform_indices = @transform_1, window_bounds = array<i64: 512, 128>}, {transform_indices = @transform_2, window_bounds = array<i64: 512, 128>}, {transform_indices = @transform_3, window_bounds = array<i64: 512, 1>}, {transform_indices = @transform_4, window_bounds = array<i64: 512, 1>}, {pipeline_mode = #tpu.pipeline_mode<synchronous>, transform_indices = @transform_5, window_bounds = array<i64: 1, 128>}, {pipeline_mode = #tpu.pipeline_mode<synchronous>, transform_indices = @transform_6, window_bounds = array<i64: 1, 128>}, {pipeline_mode = #tpu.pipeline_mode<synchronous>, transform_indices = @transform_7, window_bounds = array<i64: 1, 128>}, {transform_indices = @transform_8, window_bounds = array<i64: 512, 128>}]} {
    %get3A = arith.constant 0 : index
    %get3A_0 = arith.constant 0 : index
    %get3A_1 = vector.load %arg4[%get3A, %get3A_0] : memref<512x1xf32, #tpu.memory_space<vmem>>, vector<512x1xf32>
    %add3A = arith.constant 1.000000e+00 : f32
    %add3A_2 = vector.broadcast %add3A : f32 to vector<512x1xf32>
    %add3A_3 = arith.addf %add3A_2, %get3A_1 : vector<512x1xf32>
    %get3A_4 = arith.constant 0 : index
    %get3A_5 = arith.constant 0 : index
    %get3A_6 = vector.load %arg5[%get3A_4, %get3A_5] : memref<512x1xf32, #tpu.memory_space<vmem>>, vector<512x1xf32>
    %add3A_7 = arith.addf %add3A_3, %get3A_6 : vector<512x1xf32>
    %rsqrt3A = math.rsqrt %add3A_7 : vector<512x1xf32>
    %get3A_8 = arith.constant 0 : index
    %get3A_9 = arith.constant 0 : index
    %get3A_10 = vector.load %arg1[%get3A_8, %get3A_9] : memref<512x128xf32, #tpu.memory_space<vmem>>, vector<512x128xf32>
    %get3A_11 = arith.constant 0 : index
    %get3A_12 = arith.constant 0 : index
    %get3A_13 = vector.load %arg2[%get3A_11, %get3A_12] : memref<512x128xf32, #tpu.memory_space<vmem>>, vector<512x128xf32>
    %add3A_14 = arith.addf %get3A_10, %get3A_13 : vector<512x128xf32>
    %get3A_15 = arith.constant 0 : index
    %get3A_16 = arith.constant 0 : index
    %get3A_17 = vector.load %arg3[%get3A_15, %get3A_16] : memref<512x128xf32, #tpu.memory_space<vmem>>, vector<512x128xf32>
    %add3A_18 = arith.addf %add3A_14, %get3A_17 : vector<512x128xf32>
    %mul3A = vector.broadcast %rsqrt3A : vector<512x1xf32> to vector<512x128xf32>
    %mul3A_19 = arith.mulf %add3A_18, %mul3A : vector<512x128xf32>
    %get3A_20 = arith.constant 0 : index
    %get3A_21 = arith.constant 0 : index
    %get3A_22 = vector.load %arg6[%get3A_20, %get3A_21] : memref<1x128xf32, #tpu.memory_space<vmem>>, vector<1x128xf32>
    %add3A_23 = vector.broadcast %get3A_22 : vector<1x128xf32> to vector<512x128xf32>
    %add3A_24 = arith.addf %mul3A_19, %add3A_23 : vector<512x128xf32>
    %reduce_sum3A = arith.constant dense<0.000000e+00> : vector<512xf32>
    %reduce_sum3A_25 = vector.multi_reduction <add>, %add3A_24, %reduce_sum3A [1] : vector<512x128xf32> to vector<512xf32>
    %broadcast_in_dim3A = vector.shape_cast %reduce_sum3A_25 : vector<512xf32> to vector<512x1xf32>
    %div3A = arith.constant 1.280000e+02 : f32
    %div3A_26 = vector.broadcast %div3A : f32 to vector<512x1xf32>
    %div3A_27 = arith.divf %broadcast_in_dim3A, %div3A_26 : vector<512x1xf32>
    %sub3A = vector.broadcast %div3A_27 : vector<512x1xf32> to vector<512x128xf32>
    %sub3A_28 = arith.subf %add3A_24, %sub3A : vector<512x128xf32>
    %mul3A_29 = arith.mulf %sub3A_28, %sub3A_28 : vector<512x128xf32>
    %reduce_sum3A_30 = arith.constant dense<0.000000e+00> : vector<512xf32>
    %reduce_sum3A_31 = vector.multi_reduction <add>, %mul3A_29, %reduce_sum3A_30 [1] : vector<512x128xf32> to vector<512xf32>
    %broadcast_in_dim3A_32 = vector.shape_cast %reduce_sum3A_31 : vector<512xf32> to vector<512x1xf32>
    %div3A_33 = arith.constant 1.280000e+02 : f32
    %div3A_34 = vector.broadcast %div3A_33 : f32 to vector<512x1xf32>
    %div3A_35 = arith.divf %broadcast_in_dim3A_32, %div3A_34 : vector<512x1xf32>
    %get3A_36 = arith.constant 0 : index
    %get3A_37 = arith.constant 0 : index
    %get3A_38 = vector.load %arg7[%get3A_36, %get3A_37] : memref<1x128xf32, #tpu.memory_space<vmem>>, vector<1x128xf32>
    %mul3A_39 = vector.broadcast %get3A_38 : vector<1x128xf32> to vector<512x128xf32>
    %mul3A_40 = arith.mulf %mul3A_39, %sub3A_28 : vector<512x128xf32>
    %add3A_41 = arith.constant 9.99999974E-6 : f32
    %add3A_42 = vector.broadcast %add3A_41 : f32 to vector<512x1xf32>
    %add3A_43 = arith.addf %div3A_35, %add3A_42 : vector<512x1xf32>
    %rsqrt3A_44 = math.rsqrt %add3A_43 : vector<512x1xf32>
    %mul3A_45 = vector.broadcast %rsqrt3A_44 : vector<512x1xf32> to vector<512x128xf32>
    %mul3A_46 = arith.mulf %mul3A_40, %mul3A_45 : vector<512x128xf32>
    %get3A_47 = arith.constant 0 : index
    %get3A_48 = arith.constant 0 : index
    %get3A_49 = vector.load %arg8[%get3A_47, %get3A_48] : memref<1x128xf32, #tpu.memory_space<vmem>>, vector<1x128xf32>
    %add3A_50 = vector.broadcast %get3A_49 : vector<1x128xf32> to vector<512x128xf32>
    %add3A_51 = arith.addf %mul3A_46, %add3A_50 : vector<512x128xf32>
    %mul3A_52 = arith.constant 5.000000e-01 : f32
    %mul3A_53 = vector.broadcast %mul3A_52 : f32 to vector<512x128xf32>
    %mul3A_54 = arith.mulf %mul3A_53, %add3A_51 : vector<512x128xf32>
    %mul3A_55 = arith.constant 0.707106769 : f32
    %mul3A_56 = vector.broadcast %mul3A_55 : f32 to vector<512x128xf32>
    %mul3A_57 = arith.mulf %add3A_51, %mul3A_56 : vector<512x128xf32>
    %erf3A = math.erf %mul3A_57 : vector<512x128xf32>
    %add3A_58 = arith.constant 1.000000e+00 : f32
    %add3A_59 = vector.broadcast %add3A_58 : f32 to vector<512x128xf32>
    %add3A_60 = arith.addf %add3A_59, %erf3A : vector<512x128xf32>
    %mul3A_61 = arith.mulf %mul3A_54, %add3A_60 : vector<512x128xf32>
    %swap3A = arith.constant 0 : index
    %swap3A_62 = arith.constant 0 : index
    %swap3A_63 = vector.load %arg9[%swap3A, %swap3A_62] : memref<512x128xf32, #tpu.memory_space<vmem>>, vector<512x128xf32>
    tpu.vector_store %arg9[%swap3A, %swap3A_62], %mul3A_61 {strides = array<i32>} : memref<512x128xf32, #tpu.memory_space<vmem>>, vector<512x128xf32>,
    return
  }
  func.func @transform_0(%arg0: i32) -> (i32, i32) {
    %c0_i32 = arith.constant 0 : i32
    %c0_i32_0 = arith.constant 0 : i32
    return %arg0, %c0_i32 : i32, i32
  }
  func.func @transform_1(%arg0: i32) -> (i32, i32) {
    %c0_i32 = arith.constant 0 : i32
    %c0_i32_0 = arith.constant 0 : i32
    return %arg0, %c0_i32 : i32, i32
  }
  func.func @transform_2(%arg0: i32) -> (i32, i32) {
    %c0_i32 = arith.constant 0 : i32
    %c0_i32_0 = arith.constant 0 : i32
    return %arg0, %c0_i32 : i32, i32
  }
  func.func @transform_3(%arg0: i32) -> (i32, i32) {
    %c0_i32 = arith.constant 0 : i32
    %c0_i32_0 = arith.constant 0 : i32
    return %arg0, %c0_i32 : i32, i32
  }
  func.func @transform_4(%arg0: i32) -> (i32, i32) {
    %c0_i32 = arith.constant 0 : i32
    %c0_i32_0 = arith.constant 0 : i32
    return %arg0, %c0_i32 : i32, i32
  }
  func.func @transform_5(%arg0: i32) -> (i32, i32) {
    %c0_i32 = arith.constant 0 : i32
    %c0_i32_0 = arith.constant 0 : i32
    %c0_i32_1 = arith.constant 0 : i32
    return %c0_i32, %c0_i32_0 : i32, i32
  }
  func.func @transform_6(%arg0: i32) -> (i32, i32) {
    %c0_i32 = arith.constant 0 : i32
    %c0_i32_0 = arith.constant 0 : i32
    %c0_i32_1 = arith.constant 0 : i32
    return %c0_i32, %c0_i32_0 : i32, i32
  }
  func.func @transform_7(%arg0: i32) -> (i32, i32) {
    %c0_i32 = arith.constant 0 : i32
    %c0_i32_0 = arith.constant 0 : i32
    %c0_i32_1 = arith.constant 0 : i32
    return %c0_i32, %c0_i32_0 : i32, i32
  }
  func.func @transform_8(%arg0: i32) -> (i32, i32) {
    %c0_i32 = arith.constant 0 : i32
    %c0_i32_0 = arith.constant 0 : i32
    return %arg0, %c0_i32 : i32, i32
  }
}

</mosaic_0001>

<sc_bundles>
// kernel: kernel.12.cloned.1.call-start
scs
__scs_entry_jumppad:
0x0: {  	(pc) =	sbr.rel $0x88, $3  }
0x1: {  	(tag) =	ssettag $0x0;
	lr =	simm.s32 $0x1  }
0x2: {  	[smem:$0x3F97] =	sst lr;
	_ =	strace $0xD0000000  }
0x3: {  	_ = 	snop  }
0x4: {  	_ = 	snop  }
0x5: {  	_ = 	snop  }
0x6: {  	_ = 	snop  }
0x7: {  	_ = 	snop  }
__scs_overlays_trampoline_lowered:
0x8: {  	[smem:$0x3FA6] =	sst s0  }
0x9: {  	[smem:$0x3FA7] =	sst s1  }
0xa: {  	[smem:$0x3FA8] =	sst s2  }
0xb: {  	[smem:$0x3FA9] =	sst s3  }
0xc: {  	[smem:$0x3FAA] =	sst s4  }
0xd: {  	[smem:$0x3FAB] =	sst s5  }
0xe: {  	[smem:$0x3FAC] =	sst s6  }
0xf: {  	[smem:$0x3FAD] =	sst s7  }
0x10: {  	[smem:$0x3FAE] =	sst s8  }
0x11: {  	[smem:$0x3FAF] =	sst s9;
	s0 =	simm.s32 @!p0 $0x0  }
0x12: {  	s1 =	sld [smem:$0x3F95];
	s0 =	simm.s32 @p0 $0x1  }
0x13: {  	[smem:$0x3FB0] =	sst s0;
	s0 =	simm.s32 @!p1 $0x0  }
0x14: {  	s2 =	sld [smem:$0x3F94];
	s0 =	simm.s32 @p1 $0x1  }
0x15: {  	[smem:$0x3FB1] =	sst s0;
	s0 =	simm.s32 @!p2 $0x0  }
0x16: {  	s3 =	sld [smem:$0x3FDB];
	s0 =	simm.s32 @p2 $0x1  }
0x17: {  	s4 =	simm.s32 $0x1BF5;
	[smem:$0x3FB3] =	sst s0  }
0x18: {  	s0 =	sld [smem:$0x3F96];
	_ =	swait.ge [sflag:s4], $0x0  }
0x19: {  	s7 =	sld [smem:$0x3F97]  }
0x1a: {  	s8 =	sadd.s32 $0xFFFFE003, lr  }
0x1b: {  	s9 =	sadd.s32 $0xFFFFFEF7, lr;
	s5 =	simm.s32 $0xFFFFFFFF;
	p2 =	slt.u32 s8, $0xFFFFF086  }
0x1c: {  	p1 =	slt.u32 s9, $0xF7A;
	s5 =	simm.s32 @!p2 $0x0  }
0x1d: {  	s5 =	simm.s32 @p1 $0x1;
	p0 =	seq.s32 s7, s2  }
0x1e: {  	s7 =	smul.u32 @!p0 $0xF7A, s2;
	p2 =	seq.s32 @!p0 s5, $0x0  }
0x1f: {  	s9 =	smul.u32 $0xF7A, s1;
	s8 =	simm.s32 @!p0 $0x1BF5;
	p2 =	por !p2, p0  }
0x20: {  	[sflag:s8] =	ssyncset.s32 @!p0 $0xFFFFF086;
	s6 =	sadd.s32 @!p0 s3, s7;
	s7 =	simm.s32 @!p0 $0x108  }
0x21: {  	s3 =	sadd.s32 s3, s9;
	s6 =	sadd.s32 @!p0 $0x88, s6;
	s7 =	simm.s32 @p2 $0x1082  }
0x22: {  	[simem:s7], [sflag:s8] =	dma.local @!p0 [hbm:s6], $0xF7A  }
0x23: {  	s9 =	sor.u32 $0xD0000000, s2;
	s6 =	simm.s32 $0x108;
	_ =	swait.ge @!p0 [sflag:s8], $0x0  }
0x24: {  	s3 =	sadd.s32 $0x88, s3;
	s6 =	simm.s32 @!p1 $0x1082;
	[sflag:s4] =	ssyncset.s32 $0xFFFFF086  }
0x25: {  	[simem:s6], [sflag:s4] =	dma.local [hbm:s3], $0xF7A  }
0x26: {  	[smem:$0x3F97] =	sst s1;
	(tag) =	ssettag s2;
	_ =	strace s9  }
0x27: {  	s1 =	sld [smem:$0x3FA7]  }
0x28: {  	s2 =	sld [smem:$0x3FA8]  }
0x29: {  	s4 =	sld [smem:$0x3FAA]  }
0x2a: {  	p0 =	seq.s32 s5, $0x0;
	s5 =	sld [smem:$0x3FAB]  }
0x2b: {  	s6 =	sld [smem:$0x3FAC]  }
0x2c: {  	s7 =	sld [smem:$0x3FAD]  }
0x2d: {  	s3 =	simm.s32 $0x108;
	s8 =	sld [smem:$0x3FAE]  }
0x2e: {  	s3 =	simm.s32 @!p0 $0x1082;
	s9 =	sld [smem:$0x3FAF]  }
0x2f: {  	lr =	sadd.s32 s0, s3;
	s0 =	sld [smem:$0x3FA6]  }
0x30: {  	s3 =	sld [smem:$0x3FA9]  }
0x31: {  	[smem:$0x3FB2] =	sst s10  }
0x32: {  	s10 =	sld [smem:$0x3FB0];
	_ =	sdelay $0x3  }
0x33: {  	p0 =	seq.s32 s10, $0x1;
	s10 =	sld [smem:$0x3FB2];
	_ =	sdelay $0x3  }
0x34: {  	[smem:$0x3FB2] =	sst s10  }
0x35: {  	s10 =	sld [smem:$0x3FB1];
	_ =	sdelay $0x3  }
0x36: {  	p1 =	seq.s32 s10, $0x1;
	s10 =	sld [smem:$0x3FB2];
	_ =	sdelay $0x3  }
0x37: {  	[smem:$0x3FB2] =	sst s10  }
0x38: {  	s10 =	sld [smem:$0x3FB3]  }
0x39: {  	_ = 	snop;
	(pc) =	sbr.ind lr, $3  }
0x3a: {  	_ = 	snop  }
0x3b: {  	_ = 	snop  }
0x3c: {  	p2 =	seq.s32 s10, $0x1;
	s10 =	sld [smem:$0x3FB2]  }
0x3d: {  	_ =	shalt  }
0x3e: {  	_ =	shalt  }
0x3f: {  	_ =	shalt  }
0x40: {  	_ =	shalt  }
0x41: {  	_ =	shalt  }
0x42: {  	_ =	shalt  }
0x43: {  	_ =	shalt  }
0x44: {  	_ =	shalt  }
0x45: {  	_ =	shalt  }
0x46: {  	_ =	shalt  }
0x47: {  	_ =	shalt  }
0x48: {  	_ =	shalt  }
0x49: {  	_ =	shalt  }
0x4a: {  	_ =	shalt  }
0x4b: {  	_ =	shalt  }
0x4c: {  	_ =	shalt  }
0x4d: {  	_ =	shalt  }
0x4e: {  	_ =	shalt  }
0x4f: {  	_ =	shalt  }
0x50: {  	_ =	shalt  }
0x51: {  	_ =	shalt  }
0x52: {  	_ =	shalt  }
0x53: {  	_ =	shalt  }
0x54: {  	_ =	shalt  }
0x55: {  	_ =	shalt  }
0x56: {  	_ =	shalt  }
0x57: {  	_ =	shalt  }
0x58: {  	_ =	shalt  }
0x59: {  	_ =	shalt  }
0x5a: {  	_ =	shalt  }
0x5b: {  	_ =	shalt  }
0x5c: {  	_ =	shalt  }
0x5d: {  	_ =	shalt  }
0x5e: {  	_ =	shalt  }
0x5f: {  	_ =	shalt  }
0x60: {  	_ =	shalt  }
0x61: {  	_ =	shalt  }
0x62: {  	_ =	shalt  }
0x63: {  	_ =	shalt  }
0x64: {  	_ =	shalt  }
0x65: {  	_ =	shalt  }
0x66: {  	_ =	shalt  }
0x67: {  	_ =	shalt  }
0x68: {  	_ =	shalt  }
0x69: {  	_ =	shalt  }
0x6a: {  	_ =	shalt  }
0x6b: {  	_ =	shalt  }
0x6c: {  	_ =	shalt  }
0x6d: {  	_ =	shalt  }
0x6e: {  	_ =	shalt  }
0x6f: {  	_ =	shalt  }
0x70: {  	_ =	shalt  }
0x71: {  	_ =	shalt  }
0x72: {  	_ =	shalt  }
0x73: {  	_ =	shalt  }
0x74: {  	_ =	shalt  }
0x75: {  	_ =	shalt  }
0x76: {  	_ =	shalt  }
0x77: {  	_ =	shalt  }
0x78: {  	_ =	shalt  }
0x79: {  	_ =	shalt  }
0x7a: {  	_ =	shalt  }
0x7b: {  	_ =	shalt  }
0x7c: {  	_ =	shalt  }
0x7d: {  	_ =	shalt  }
0x7e: {  	_ =	shalt  }
0x7f: {  	_ =	shalt  }
0x80: {  	_ =	shalt  }
0x81: {  	_ =	shalt  }
0x82: {  	_ =	shalt  }
0x83: {  	_ =	shalt  }
0x84: {  	_ =	shalt  }
0x85: {  	_ =	shalt  }
0x86: {  	_ =	shalt  }
0x87: {  	_ =	shalt  }
.Lfunc_end0:
.L_simem_size_0:
called_computation.1_lowered:
.L_overlay_start_0:
0x88: {  	s2 =	sld [smem:$0x3FD9]  }
0x89: {  	s3 =	sld [smem:$0x3FFE];
	_ =	sdelay $0x1  }
0x8a: {  	s1 =	srdreg.scid  }
0x8b: {  	s0 =	sand.u32 $0x1, s1  }
0x8c: {  	s17 =	sshll.u32 s0, $0xA;
	s2 =	sadd.s32 s3, s2  }
0x8d: {  	s2 =	sadd.s32 s2, s17  }
0x8e: {  	[smem:$0x3FBE] =	sst s2  }
0x8f: {  	_ = 	snop  }
0x90: {  	s2 =	sld [smem:$0x3FD0];
	(tm) =	ssettm $0x1  }
0x91: {  	s18 =	sld [smem:$0x3FFB];
	_ =	sdelay $0x3  }
0x92: {  	_ =	strace s18  }
0x93: {  	s3 =	sld [smem:$0x3FFC];
	_ =	sdelay $0x3  }
0x94: {  	_ =	strace s3  }
0x95: {  	s3 =	sld [smem:$0x3FFD];
	_ =	sdelay $0x3  }
0x96: {  	_ =	strace s3  }
0x97: {  	_ =	strace $0x8FFFFFFF  }
0x98: {  	s19 =	sld [smem:$0x3FDB];
	_ =	sdelay $0x1  }
0x99: {  	s4 =	simm.s32 $_scs_section_size  }
0x9a: {  	s5 =	simm.s32 $_size__tile_overlayer_lowered;
	s6 =	simm.s32 $_tile_overlayer_lowered  }
0x9b: {  	s22 =	simm.s32 $0x1BFF;
	s21 =	sshll.u32 s6, $0x1;
	s3 =	sadd.s32 s4, s19  }
0x9c: {  	s7 =	simm.s32 $0x0;
	s20 =	sshll.u32 s5, $0x1;
	s5 =	sadd.s32 s21, s3  }
0x9d: {  	[timem:s7], [sflag:s22] =	dma.local [hbm:s5], s20  }
0x9e: {  	_ =	swait.ge [sflag:s22], s20  }
0x9f: {  	s4 =	ssub.s32 $0x0, s20;
	[sflag:s22] =	ssyncset.done $0x0  }
0xa0: {  	[sflag:s22] =	ssyncadd.s32 s4;
	_ =	sdelay $0x1  }
0xa1: {  	s23 =	simm.s32 $0x1B8B  }
0xa2: {  	_ =	swait.ge [sflag:s23], $0x1  }
0xa3: {  	[sflag:s23] =	ssyncset.done $0x0  }
0xa4: {  	s25 =	simm.s32 $0x1B8E;
	s24 =	sld [smem:$0x3FFE];
	[sflag:s23] =	ssyncadd.s32 $0xFFFFFFFF  }
0xa5: {  	s26 =	simm.s32 $execute0_lowered;
	[smem:$0x3FD2] =	sst s25  }
0xa6: {  	s5 =	sshll.u32 s26, $0x1;
	_ =	strace $0x80000049;
	[dreg:$0x1] =	wrdreg $0xFFFFFFFF  }
0xa7: {  	s28 =	simm.s32 $_size_execute0_lowered;
	s3 =	sadd.s32 s3, s5;
	[dreg:$0x0] =	wrdreg $0x0  }
0xa8: {  	s5 =	sshll.u32 s28, $0x1;
	[dreg:$0x2] =	wrdreg s3  }
0xa9: {  	[dreg:$0x3] =	wrdreg s5  }
0xaa: {  	[dreg:$0x4] =	wrdreg $0xC0  }
0xab: {  	_ =	task [dreg:s7], $0x5FFFF  }
0xac: {  	[dreg:$0x1] =	wrdreg $0xFFFFFFFF  }
0xad: {  	[dreg:$0x0] =	wrdreg $0x60  }
0xae: {  	[dreg:$0x2] =	wrdreg s24  }
0xaf: {  	[dreg:$0x3] =	wrdreg s2  }
0xb0: {  	[dreg:$0x4] =	wrdreg $0x82000  }
0xb1: {  	[dreg:$0x5] =	wrdreg $0x9  }
0xb2: {  	_ =	task.clear_ibuf [dreg:s7], $0x6FFFF;
	_ =	strace $0x90000049  }
0xb3: {  	s29 =	simm.s32 $0x9;
	_ =	strace $0x8000004B  }
0xb4: {  	_ =	swait.ge [sflag:s29], $0x1  }
0xb5: {  	[sflag:s29] =	ssyncadd.s32 $0xFFFFFFFF  }
0xb6: {  	_ =	strace $0x9000004B  }
0xb7: {  	_ =	sfence  }
0xb8: {  	s30 =	sld [smem:$0x0];
	_ =	sdelay $0x2  }
0xb9: {  	s31 =	sshll.u32 s1, $0xD;
	s1 =	sshrl.u32 s1, $0x2  }
0xba: {  	s3 =	sand.u32 $0x4000, s31;
	s1 =	sadd.s32 s1, s30  }
0xbb: {  	s0 =	sor.u32 s3, s0;
	s1 =	sshll.u32 s1, $0x11  }
0xbc: {  	s0 =	sor.u32 s1, s0  }
0xbd: {  	s0 =	sadd.s32 $0x8F2B, s0  }
0xbe: {  	[sflag:s0] =	ssyncadd.remote.s32 $0x1  }
0xbf: {  	_ =	sfence.sel $0xFFFF  }
0xc0: {  	[dreg:$0x0] =	wrdreg $0xFFFFFFFF;
	(pc) =	sbr.abs _section_cstart, $3  }
0xc1: {  	[dreg:$0x1] =	wrdreg $0xFFFFFFFF  }
0xc2: {  	_ =	task.clear_ibuf [dreg:s7], $0x2FFFF;
	_ =	strace $0x9FFFFFFF  }
0xc3: {  	(tm) =	ssettm $0x7FFFFFFF  }
tec
execute0_lowered:
.L_overlay_start_1:
0x0: {  	(tag) =	ssettag $0x1  }
0x1: {  	s0 =	rddreg [dreg:$0x0]  }
0x2: {  	s2 =	rddreg [dreg:$0x1]  }
0x3: {  	s3 =	rddreg [dreg:$0x2]  }
0x4: {  	s12 =	stileid.u32;
	s1 =	srdreg.scid;
	s4 =	simm.s32 $0x0  }
0x5: {  	s28 =	simm.s32 $0x180;
	s29 =	simm.s32 $0x4200;
	s30 =	simm.s32 $0x1  }
0x6: {  	s31 =	simm.s32 $0x2;
	s6 =	smul.u32 $0x14000, s12;
	s1 =	sand.u32 $0x1, s1  }
0x7: {  	[smem:$0x7FF] =	sst s4;
	s5 =	sadd.s32 $0x5F600, s0;
	s10 =	smul.u32 $0x50000, s12  }
0x8: {  	s11 =	sshll.u32 s12, $0x1;
	s21 =	sshll.u32 s12, $0x6;
	s15 =	smul.u32 $0x4F00, s12  }
0x9: {  	s7 =	smul.u32 $0x140000, s1;
	_ =	strace $0x8000004A;
	s9 =	ssub.s32 $0x2, s1  }
0xa: {  	s11 =	sor.u32 s1, s11;
	s1 =	smul.u32 $0x2780, s1;
	s8 =	sshrl.u32 s6, $0x3  }
0xb: {  	s18 =	sshrl.u32 s9, $0x1;
	s19 =	sshrl.u32 s10, $0x2;
	s20 =	smul.u32 $0x2780, s11  }
0xc: {  	s7 =	sadd.s32 s6, s7;
	s6 =	sadd.s32 $0x5800, s0;
	s8 =	sadd.s32 s8, s0  }
0xd: {  	s25 =	sadd.s32 s1, s15;
	s7 =	sshrl.u32 s7, $0x3;
	s8 =	sadd.s32 $0x87600, s8  }
0xe: {  	s10 =	sshrl.u32 s20, $0x3;
	s1 =	sadd.s32 $0x180, s25;
	s26 =	sadd.s32 $0x80, s25  }
0xf: {  	s0 =	sadd.s32 s7, s0;
	s7 =	ssub.s32 s9, s18;
	s18 =	sadd.s32 s19, s3  }
0x10: {  	[dreg:$0x4] =	wrdreg s8;
	s8 =	sor.u32 $0x1C05, s21;
	s9 =	sadd.s32 s6, s10  }
0x11: {  	s13 =	sadd.s32 $0x4E0, s10;
	s10 =	sadd.s32 s2, s10;
	s1 =	sshrl.u32 s1, $0x3  }
0x12: {  	s19 =	sshrl.u32 s26, $0x3;
	s21 =	simm.s32 $0x5;
	s26 =	simm.s32 $0x4  }
0x13: {  	s22 =	sadd.s32 $0x10, s9;
	s23 =	sadd.s32 s6, s13;
	s24 =	sadd.s32 s2, s13  }
0x14: {  	s14 =	sadd.s32 $0xAF600, s0;
	s15 =	smax.u32 s7, $0x1;
	s16 =	sadd.s32 $0x4D0, s10  }
0x15: {  	s17 =	sadd.s32 s1, s6;
	s7 =	sadd.s32 $0x100, s25;
	[dreg:$0x5] =	wrdreg s22  }
0x16: {  	s19 =	sadd.s32 s19, s2;
	s20 =	sshrl.u32 s18, $0x3;
	[dreg:$0x6] =	wrdreg s23  }
0x17: {  	s25 =	simm.s32 $0x200;
	s0 =	simm.s32 $0x0;
	[dreg:$0x7] =	wrdreg s24  }
0x18: {  	s22 =	simm.s32 $0x3;
	s23 =	simm.s32 $0x100;
	s24 =	simm.s32 $0x80  }
.LBB2_1:
0x19: {  	s1 =	rddreg [dreg:$0x4]  }
0x1a: {  	[spmem:s20], [sflag:s8] =	dma.local [hbm:s1], $0x2800  }
0x1b: {  	_ =	swait.ge [sflag:s21], $0x2800  }
0x1c: {  	[sflag:s21] =	ssyncset.done $0x0  }
0x1d: {  	[sflag:s21] =	ssyncadd.s32 $0xFFFFD800  }
0x1e: {  	[bflag:$0x0] =	sbarrier.arrive $0xFFFF  }
0x1f: {  	[tilespmem:s4], [sflag:$0x3] =	stream.linear.gather [hbm4b:s9+s4], $0x80, $0x38;
	[tilespmem:$0x1C200] =	vst v63  }
0x20: {  	_ =	swait.ge [sflag:s22], $0x80  }
0x21: {  	[sflag:s22] =	ssyncset.done $0x0  }
0x22: {  	[sflag:s22] =	ssyncadd.s32 $0xFFFFFF80  }
0x23: {  	[tilespmem:s23], [sflag:$0x5] =	stream.linear.gather [hbm4b:s10+s4], $0x80, $0x38;
	[tilespmem:$0x1C200] =	vst v63  }
0x24: {  	_ =	swait.ge [sflag:s21], $0x80  }
0x25: {  	[sflag:s21] =	ssyncset.done $0x0  }
0x26: {  	[sflag:s21] =	ssyncadd.s32 $0xFFFFFF80  }
0x27: {  	[tilespmem:s25], [sflag:$0x1] =	stream.indirect.gather [hbm4b:s5+s24], $0x80, s4, s24, $0xb8;
	[tilespmem:$0x1C200] =	vst v63  }
0x28: {  	s11 =	rddreg [dreg:$0x5]  }
0x29: {  	[tilespmem:s24], [sflag:$0x4] =	stream.linear.gather [hbm4b:s11+s4], $0x80, $0x38;
	[tilespmem:$0x1C200] =	vst v63  }
0x2a: {  	_ =	swait.ge [sflag:s26], $0x80  }
0x2b: {  	[sflag:s26] =	ssyncset.done $0x0  }
0x2c: {  	s12 =	sadd.s32 $0x0, s19;
	[sflag:s26] =	ssyncadd.s32 $0xFFFFFF80  }
0x2d: {  	[tilespmem:s28], [sflag:$0x5] =	stream.linear.gather [hbm4b:s12+s4], $0x80, $0x38;
	[tilespmem:$0x1C200] =	vst v63  }
0x2e: {  	_ =	swait.ge [sflag:s21], $0x80  }
0x2f: {  	[sflag:s21] =	ssyncset.done $0x0  }
0x30: {  	[sflag:s21] =	ssyncadd.s32 $0xFFFFFF80  }
0x31: {  	[tilespmem:s29], [sflag:$0x2] =	stream.indirect.gather [hbm4b:s5+s24], $0x80, s24, s24, $0xb8;
	[tilespmem:$0x1C200] =	vst v63  }
0x32: {  	_ =	swait.ge [sflag:s30], $0x4000  }
0x33: {  	s13 =	sshrl.u32 s7, $0x3;
	[sflag:s30] =	ssyncset.done $0x0  }
0x34: {  	s18 =	sadd.s32 s6, s13;
	[sflag:s30] =	ssyncadd.s32 $0xFFFFC000  }
0x35: {  	[tilespmem:s4], [sflag:$0x3] =	stream.linear.gather [hbm4b:s18+s4], $0x80, $0x38;
	[tilespmem:$0x1C200] =	vst v63  }
0x36: {  	_ = 	snop  }
0x37: {  	[spmem:s3] =	stream.indirect.scatter.add.f32 [tilespmem:s25], [sflag:$0x5], $0x80, s23, s24, $0xb8;
	[tilespmem:$0x1C200] =	vst v63  }
0x38: {  	_ =	swait.ge [sflag:s21], $0x4000  }
0x39: {  	[sflag:s21] =	ssyncset.done $0x0  }
0x3a: {  	[sflag:s21] =	ssyncadd.s32 $0xFFFFC000  }
0x3b: {  	_ =	swait.ge [sflag:s22], $0x80  }
0x3c: {  	[sflag:s22] =	ssyncset.done $0x0  }
0x3d: {  	s1 =	sadd.s32 s2, s13;
	[sflag:s22] =	ssyncadd.s32 $0xFFFFFF80  }
0x3e: {  	[tilespmem:s23], [sflag:$0x5] =	stream.linear.gather [hbm4b:s1+s4], $0x80, $0x38;
	[tilespmem:$0x1C200] =	vst v63  }
0x3f: {  	_ =	swait.ge [sflag:s21], $0x80  }
0x40: {  	[sflag:s21] =	ssyncset.done $0x0  }
0x41: {  	[sflag:s21] =	ssyncadd.s32 $0xFFFFFF80  }
0x42: {  	[tilespmem:s25], [sflag:$0x1] =	stream.indirect.gather [hbm4b:s5+s24], $0x80, s4, s24, $0xb8;
	[tilespmem:$0x1C200] =	vst v63  }
0x43: {  	_ =	swait.ge [sflag:s31], $0x4000  }
0x44: {  	[sflag:s31] =	ssyncset.done $0x0  }
0x45: {  	s18 =	sadd.s32 $0x0, s17;
	[sflag:s31] =	ssyncadd.s32 $0xFFFFC000  }
0x46: {  	[tilespmem:s24], [sflag:$0x4] =	stream.linear.gather [hbm4b:s18+s4], $0x80, $0x38;
	[tilespmem:$0x1C200] =	vst v63  }
0x47: {  	_ = 	snop  }
0x48: {  	[spmem:s3] =	stream.indirect.scatter.add.f32 [tilespmem:s29], [sflag:$0x5], $0x80, s28, s24, $0xb8;
	[tilespmem:$0x1C200] =	vst v63  }
0x49: {  	_ =	swait.ge [sflag:s21], $0x4000  }
0x4a: {  	s1 =	simm.s32 $0x20;
	s18 =	smov.u32 s7;
	[sflag:s21] =	ssyncset.done $0x0  }
.LBB2_2:
0x4b: {  	p0 =	sne.s32 s1, $0x4A0;
	[sflag:s21] =	ssyncadd.s32 $0xFFFFC000;
	s18 =	sadd.s32 $0x100, s18  }
0x4c: {  	s11 =	smov.u32 s1;
	s1 =	sadd.s32 $0x20, s1  }
0x4d: {  	_ =	swait.ge [sflag:s26], $0x80  }
0x4e: {  	[sflag:s26] =	ssyncset.done $0x0  }
0x4f: {  	s12 =	sadd.s32 s11, s19;
	[sflag:s26] =	ssyncadd.s32 $0xFFFFFF80  }
0x50: {  	[tilespmem:s28], [sflag:$0x5] =	stream.linear.gather [hbm4b:s12+s4], $0x80, $0x38;
	[tilespmem:$0x1C200] =	vst v63  }
0x51: {  	_ =	swait.ge [sflag:s21], $0x80  }
0x52: {  	[sflag:s21] =	ssyncset.done $0x0  }
0x53: {  	[sflag:s21] =	ssyncadd.s32 $0xFFFFFF80  }
0x54: {  	[tilespmem:s29], [sflag:$0x2] =	stream.indirect.gather [hbm4b:s5+s24], $0x80, s24, s24, $0xb8;
	[tilespmem:$0x1C200] =	vst v63  }
0x55: {  	_ =	swait.ge [sflag:s30], $0x4000  }
0x56: {  	s12 =	sshrl.u32 s18, $0x3;
	[sflag:s30] =	ssyncset.done $0x0  }
0x57: {  	s13 =	sadd.s32 s6, s12;
	[sflag:s30] =	ssyncadd.s32 $0xFFFFC000  }
0x58: {  	[tilespmem:s4], [sflag:$0x3] =	stream.linear.gather [hbm4b:s13+s4], $0x80, $0x38;
	[tilespmem:$0x1C200] =	vst v63  }
0x59: {  	_ = 	snop  }
0x5a: {  	[spmem:s3] =	stream.indirect.scatter.add.f32 [tilespmem:s25], [sflag:$0x5], $0x80, s23, s24, $0xb8;
	[tilespmem:$0x1C200] =	vst v63  }
0x5b: {  	_ =	swait.ge [sflag:s21], $0x4000  }
0x5c: {  	[sflag:s21] =	ssyncset.done $0x0  }
0x5d: {  	[sflag:s21] =	ssyncadd.s32 $0xFFFFC000  }
0x5e: {  	_ =	swait.ge [sflag:s22], $0x80  }
0x5f: {  	[sflag:s22] =	ssyncset.done $0x0  }
0x60: {  	s12 =	sadd.s32 s2, s12;
	[sflag:s22] =	ssyncadd.s32 $0xFFFFFF80  }
0x61: {  	[tilespmem:s23], [sflag:$0x5] =	stream.linear.gather [hbm4b:s12+s4], $0x80, $0x38;
	[tilespmem:$0x1C200] =	vst v63  }
0x62: {  	_ =	swait.ge [sflag:s21], $0x80  }
0x63: {  	[sflag:s21] =	ssyncset.done $0x0  }
0x64: {  	[sflag:s21] =	ssyncadd.s32 $0xFFFFFF80  }
0x65: {  	[tilespmem:s25], [sflag:$0x1] =	stream.indirect.gather [hbm4b:s5+s24], $0x80, s4, s24, $0xb8;
	[tilespmem:$0x1C200] =	vst v63  }
0x66: {  	_ =	swait.ge [sflag:s31], $0x4000  }
0x67: {  	[sflag:s31] =	ssyncset.done $0x0  }
0x68: {  	s11 =	sadd.s32 s11, s17;
	[sflag:s31] =	ssyncadd.s32 $0xFFFFC000  }
0x69: {  	[tilespmem:s24], [sflag:$0x4] =	stream.linear.gather [hbm4b:s11+s4], $0x80, $0x38;
	[tilespmem:$0x1C200] =	vst v63  }
.Ltmp0:
0x6a: {  	_ = 	snop;
	(pc) =	sbr.rel @p0 .LBB2_2-.Ltmp0, $4  }
0x6b: {  	_ = 	snop  }
0x6c: {  	[spmem:s3] =	stream.indirect.scatter.add.f32 [tilespmem:s29], [sflag:$0x5], $0x80, s28, s24, $0xb8;
	[tilespmem:$0x1C200] =	vst v63  }
0x6d: {  	_ =	swait.ge [sflag:s21], $0x4000  }
0x6e: {  	[sflag:s21] =	ssyncset.done $0x0  }
0x6f: {  	[sflag:s21] =	ssyncadd.s32 $0xFFFFC000  }
0x70: {  	_ =	swait.ge [sflag:s26], $0x80  }
0x71: {  	[sflag:s26] =	ssyncset.done $0x0  }
0x72: {  	[sflag:s26] =	ssyncadd.s32 $0xFFFFFF80  }
0x73: {  	[tilespmem:s28], [sflag:$0x5] =	stream.linear.gather [hbm4b:s16+s4], $0x80, $0x38;
	[tilespmem:$0x1C200] =	vst v63  }
0x74: {  	_ =	swait.ge [sflag:s21], $0x80  }
0x75: {  	[sflag:s21] =	ssyncset.done $0x0  }
0x76: {  	[sflag:s21] =	ssyncadd.s32 $0xFFFFFF80  }
0x77: {  	[tilespmem:s29], [sflag:$0x2] =	stream.indirect.gather [hbm4b:s5+s24], $0x80, s24, s24, $0xb8;
	[tilespmem:$0x1C200] =	vst v63  }
0x78: {  	_ =	swait.ge [sflag:s30], $0x4000  }
0x79: {  	[sflag:s30] =	ssyncset.done $0x0  }
0x7a: {  	[sflag:s30] =	ssyncadd.s32 $0xFFFFC000  }
0x7b: {  	[spmem:s3] =	stream.indirect.scatter.add.f32 [tilespmem:s25], [sflag:$0x5], $0x80, s23, s24, $0xb8;
	[tilespmem:$0x1C200] =	vst v63  }
0x7c: {  	_ =	swait.ge [sflag:s21], $0x4000  }
0x7d: {  	[sflag:s21] =	ssyncset.done $0x0  }
0x7e: {  	[sflag:s21] =	ssyncadd.s32 $0xFFFFC000  }
0x7f: {  	_ =	swait.ge [sflag:s31], $0x4000  }
0x80: {  	[sflag:s31] =	ssyncset.done $0x0  }
0x81: {  	[sflag:s31] =	ssyncadd.s32 $0xFFFFC000  }
0x82: {  	[spmem:s3] =	stream.indirect.scatter.add.f32 [tilespmem:s29], [sflag:$0x5], $0x80, s28, s24, $0xb8;
	[tilespmem:$0x1C200] =	vst v63  }
0x83: {  	_ =	swait.ge [sflag:s21], $0x4000  }
0x84: {  	[sflag:s21] =	ssyncset.done $0x0  }
0x85: {  	s1 =	rddreg [dreg:$0x6];
	[sflag:s21] =	ssyncadd.s32 $0xFFFFC000  }
0x86: {  	[tilespmem:s4], [sflag:$0x3] =	stream.linear.gather [hbm4b:s1+s4], $0x80, $0x38;
	[tilespmem:$0x1C200] =	vst v63  }
0x87: {  	_ =	swait.ge [sflag:s22], $0x80  }
0x88: {  	[sflag:s22] =	ssyncset.done $0x0  }
0x89: {  	s18 =	rddreg [dreg:$0x7];
	[sflag:s22] =	ssyncadd.s32 $0xFFFFFF80  }
0x8a: {  	[tilespmem:s23], [sflag:$0x5] =	stream.linear.gather [hbm4b:s18+s4], $0x80, $0x38;
	[tilespmem:$0x1C200] =	vst v63  }
0x8b: {  	_ =	swait.ge [sflag:s21], $0x80  }
0x8c: {  	[sflag:s21] =	ssyncset.done $0x0  }
0x8d: {  	[sflag:s21] =	ssyncadd.s32 $0xFFFFFF80  }
0x8e: {  	[tilespmem:s25], [sflag:$0x1] =	stream.indirect.gather [hbm4b:s5+s24], $0x80, s4, s24, $0xb8;
	[tilespmem:$0x1C200] =	vst v63  }
0x8f: {  	_ =	swait.ge [sflag:s30], $0x4000  }
0x90: {  	[sflag:s30] =	ssyncset.done $0x0  }
0x91: {  	[sflag:s30] =	ssyncadd.s32 $0xFFFFC000  }
0x92: {  	[spmem:s3] =	stream.indirect.scatter.add.f32 [tilespmem:s25], [sflag:$0x5], $0x80, s23, s24, $0xb8;
	[tilespmem:$0x1C200] =	vst v63  }
0x93: {  	_ =	swait.ge [sflag:s21], $0x4000  }
0x94: {  	s0 =	sadd.s32 $0x1, s0;
	[sflag:s21] =	ssyncset.done $0x0  }
0x95: {  	p0 =	sne.s32 s0, s15;
	[sflag:s21] =	ssyncadd.s32 $0xFFFFC000  }
.Ltmp1:
0x96: {  	[bflag:$0x0] =	sbarrier.arrive $0xFFFF;
	(pc) =	sbr.rel @p0 .LBB2_1-.Ltmp1, $4  }
0x97: {  	[hbm:s14], [sflag:s8] =	dma.local [spmem:s20], $0x2800  }
0x98: {  	_ =	swait.ge [sflag:s21], $0x2800  }
0x99: {  	[sflag:s21] =	ssyncset.done $0x0  }
0x9a: {  	[sflag:s21] =	ssyncadd.s32 $0xFFFFD800  }
0x9b: {  	_ =	sfence.sel $0x180000  }
0x9c: {  	[bflag:$0x0] =	sbarrier.arrive $0xFFFF  }
0x9d: {  	_ =	strace $0x9000004A  }
0x9e: {  	s0 =	stileid.u32;
	[bflag:$0x2] =	sbarrier.arrive $0xFFFF  }
0x9f: {  	p0 =	sne.s32 s0, $0x0;
	s0 =	rddreg [dreg:$0x3]  }
0xa0: {  	s0 =	sadd.s32 @!p0 $0x100000, s0  }
0xa1: {  	[sflag:s0] =	ssyncadd.tile.s32 @!p0 $0x1;
	_ =	shalt  }
.Lfunc_end2:
_tile_overlayer_lowered:
.L_overlay_start_2:
0xa2: {  	(tag) =	ssettag $0x2  }
0xa3: {  	s0 =	rddreg [dreg:$0x0];
	s2 =	stileid.u32  }
0xa4: {  	s1 =	rddreg [dreg:$0x1];
	p0 =	sne.s32 s2, $0x0  }
0xa5: {  	s3 =	rddreg [dreg:$0x2];
	[bflag:$0x3] =	sbarrier.arrive $0xFFFF;
	s2 =	simm.s32 @!p0 $0x1C05  }
0xa6: {  	[timem:s3], [sflag:s2] =	dma.local @!p0 [hbm:s0], s1  }
0xa7: {  	s0 =	simm.s32 @!p0 $0x5  }
0xa8: {  	_ =	swait.ge @!p0 [sflag:s0], s1  }
0xa9: {  	s1 =	ssub.s32 @!p0 $0x0, s1;
	[sflag:s0] =	ssyncset.done @!p0 $0x0  }
0xaa: {  	[sflag:s0] =	ssyncadd.s32 @!p0 s1  }
0xab: {  	[bflag:$0x3] =	sbarrier.arrive $0xFFFF  }
0xac: {  	_ =	shalt  }

// kernel: kernel.15.cloned.1.call-start
scs
__scs_entry_jumppad:
0x0: {  	(pc) =	sbr.rel $0x88, $3  }
0x1: {  	(tag) =	ssettag $0x0;
	lr =	simm.s32 $0x1  }
0x2: {  	[smem:$0x3F97] =	sst lr;
	_ =	strace $0xD0000000  }
0x3: {  	_ = 	snop  }
0x4: {  	_ = 	snop  }
0x5: {  	_ = 	snop  }
0x6: {  	_ = 	snop  }
0x7: {  	_ = 	snop  }
__scs_overlays_trampoline_lowered:
0x8: {  	[smem:$0x3FA6] =	sst s0  }
0x9: {  	[smem:$0x3FA7] =	sst s1  }
0xa: {  	[smem:$0x3FA8] =	sst s2  }
0xb: {  	[smem:$0x3FA9] =	sst s3  }
0xc: {  	[smem:$0x3FAA] =	sst s4  }
0xd: {  	[smem:$0x3FAB] =	sst s5  }
0xe: {  	[smem:$0x3FAC] =	sst s6  }
0xf: {  	[smem:$0x3FAD] =	sst s7  }
0x10: {  	[smem:$0x3FAE] =	sst s8  }
0x11: {  	[smem:$0x3FAF] =	sst s9;
	s0 =	simm.s32 @!p0 $0x0  }
0x12: {  	s1 =	sld [smem:$0x3F95];
	s0 =	simm.s32 @p0 $0x1  }
0x13: {  	[smem:$0x3FB0] =	sst s0;
	s0 =	simm.s32 @!p1 $0x0  }
0x14: {  	s2 =	sld [smem:$0x3F94];
	s0 =	simm.s32 @p1 $0x1  }
0x15: {  	[smem:$0x3FB1] =	sst s0;
	s0 =	simm.s32 @!p2 $0x0  }
0x16: {  	s3 =	sld [smem:$0x3FDB];
	s0 =	simm.s32 @p2 $0x1  }
0x17: {  	s4 =	simm.s32 $0x1BF5;
	[smem:$0x3FB3] =	sst s0  }
0x18: {  	s0 =	sld [smem:$0x3F96];
	_ =	swait.ge [sflag:s4], $0x0  }
0x19: {  	s7 =	sld [smem:$0x3F97]  }
0x1a: {  	s8 =	sadd.s32 $0xFFFFE003, lr  }
0x1b: {  	s9 =	sadd.s32 $0xFFFFFEF7, lr;
	s5 =	simm.s32 $0xFFFFFFFF;
	p2 =	slt.u32 s8, $0xFFFFF086  }
0x1c: {  	p1 =	slt.u32 s9, $0xF7A;
	s5 =	simm.s32 @!p2 $0x0  }
0x1d: {  	s5 =	simm.s32 @p1 $0x1;
	p0 =	seq.s32 s7, s2  }
0x1e: {  	s7 =	smul.u32 @!p0 $0xF7A, s2;
	p2 =	seq.s32 @!p0 s5, $0x0  }
0x1f: {  	s9 =	smul.u32 $0xF7A, s1;
	s8 =	simm.s32 @!p0 $0x1BF5;
	p2 =	por !p2, p0  }
0x20: {  	[sflag:s8] =	ssyncset.s32 @!p0 $0xFFFFF086;
	s6 =	sadd.s32 @!p0 s3, s7;
	s7 =	simm.s32 @!p0 $0x108  }
0x21: {  	s3 =	sadd.s32 s3, s9;
	s6 =	sadd.s32 @!p0 $0x88, s6;
	s7 =	simm.s32 @p2 $0x1082  }
0x22: {  	[simem:s7], [sflag:s8] =	dma.local @!p0 [hbm:s6], $0xF7A  }
0x23: {  	s9 =	sor.u32 $0xD0000000, s2;
	s6 =	simm.s32 $0x108;
	_ =	swait.ge @!p0 [sflag:s8], $0x0  }
0x24: {  	s3 =	sadd.s32 $0x88, s3;
	s6 =	simm.s32 @!p1 $0x1082;
	[sflag:s4] =	ssyncset.s32 $0xFFFFF086  }
0x25: {  	[simem:s6], [sflag:s4] =	dma.local [hbm:s3], $0xF7A  }
0x26: {  	[smem:$0x3F97] =	sst s1;
	(tag) =	ssettag s2;
	_ =	strace s9  }
0x27: {  	s1 =	sld [smem:$0x3FA7]  }
0x28: {  	s2 =	sld [smem:$0x3FA8]  }
0x29: {  	s4 =	sld [smem:$0x3FAA]  }
0x2a: {  	p0 =	seq.s32 s5, $0x0;
	s5 =	sld [smem:$0x3FAB]  }
0x2b: {  	s6 =	sld [smem:$0x3FAC]  }
0x2c: {  	s7 =	sld [smem:$0x3FAD]  }
0x2d: {  	s3 =	simm.s32 $0x108;
	s8 =	sld [smem:$0x3FAE]  }
0x2e: {  	s3 =	simm.s32 @!p0 $0x1082;
	s9 =	sld [smem:$0x3FAF]  }
0x2f: {  	lr =	sadd.s32 s0, s3;
	s0 =	sld [smem:$0x3FA6]  }
0x30: {  	s3 =	sld [smem:$0x3FA9]  }
0x31: {  	[smem:$0x3FB2] =	sst s10  }
0x32: {  	s10 =	sld [smem:$0x3FB0];
	_ =	sdelay $0x3  }
0x33: {  	p0 =	seq.s32 s10, $0x1;
	s10 =	sld [smem:$0x3FB2];
	_ =	sdelay $0x3  }
0x34: {  	[smem:$0x3FB2] =	sst s10  }
0x35: {  	s10 =	sld [smem:$0x3FB1];
	_ =	sdelay $0x3  }
0x36: {  	p1 =	seq.s32 s10, $0x1;
	s10 =	sld [smem:$0x3FB2];
	_ =	sdelay $0x3  }
0x37: {  	[smem:$0x3FB2] =	sst s10  }
0x38: {  	s10 =	sld [smem:$0x3FB3]  }
0x39: {  	_ = 	snop;
	(pc) =	sbr.ind lr, $3  }
0x3a: {  	_ = 	snop  }
0x3b: {  	_ = 	snop  }
0x3c: {  	p2 =	seq.s32 s10, $0x1;
	s10 =	sld [smem:$0x3FB2]  }
0x3d: {  	_ =	shalt  }
0x3e: {  	_ =	shalt  }
0x3f: {  	_ =	shalt  }
0x40: {  	_ =	shalt  }
0x41: {  	_ =	shalt  }
0x42: {  	_ =	shalt  }
0x43: {  	_ =	shalt  }
0x44: {  	_ =	shalt  }
0x45: {  	_ =	shalt  }
0x46: {  	_ =	shalt  }
0x47: {  	_ =	shalt  }
0x48: {  	_ =	shalt  }
0x49: {  	_ =	shalt  }
0x4a: {  	_ =	shalt  }
0x4b: {  	_ =	shalt  }
0x4c: {  	_ =	shalt  }
0x4d: {  	_ =	shalt  }
0x4e: {  	_ =	shalt  }
0x4f: {  	_ =	shalt  }
0x50: {  	_ =	shalt  }
0x51: {  	_ =	shalt  }
0x52: {  	_ =	shalt  }
0x53: {  	_ =	shalt  }
0x54: {  	_ =	shalt  }
0x55: {  	_ =	shalt  }
0x56: {  	_ =	shalt  }
0x57: {  	_ =	shalt  }
0x58: {  	_ =	shalt  }
0x59: {  	_ =	shalt  }
0x5a: {  	_ =	shalt  }
0x5b: {  	_ =	shalt  }
0x5c: {  	_ =	shalt  }
0x5d: {  	_ =	shalt  }
0x5e: {  	_ =	shalt  }
0x5f: {  	_ =	shalt  }
0x60: {  	_ =	shalt  }
0x61: {  	_ =	shalt  }
0x62: {  	_ =	shalt  }
0x63: {  	_ =	shalt  }
0x64: {  	_ =	shalt  }
0x65: {  	_ =	shalt  }
0x66: {  	_ =	shalt  }
0x67: {  	_ =	shalt  }
0x68: {  	_ =	shalt  }
0x69: {  	_ =	shalt  }
0x6a: {  	_ =	shalt  }
0x6b: {  	_ =	shalt  }
0x6c: {  	_ =	shalt  }
0x6d: {  	_ =	shalt  }
0x6e: {  	_ =	shalt  }
0x6f: {  	_ =	shalt  }
0x70: {  	_ =	shalt  }
0x71: {  	_ =	shalt  }
0x72: {  	_ =	shalt  }
0x73: {  	_ =	shalt  }
0x74: {  	_ =	shalt  }
0x75: {  	_ =	shalt  }
0x76: {  	_ =	shalt  }
0x77: {  	_ =	shalt  }
0x78: {  	_ =	shalt  }
0x79: {  	_ =	shalt  }
0x7a: {  	_ =	shalt  }
0x7b: {  	_ =	shalt  }
0x7c: {  	_ =	shalt  }
0x7d: {  	_ =	shalt  }
0x7e: {  	_ =	shalt  }
0x7f: {  	_ =	shalt  }
0x80: {  	_ =	shalt  }
0x81: {  	_ =	shalt  }
0x82: {  	_ =	shalt  }
0x83: {  	_ =	shalt  }
0x84: {  	_ =	shalt  }
0x85: {  	_ =	shalt  }
0x86: {  	_ =	shalt  }
0x87: {  	_ =	shalt  }
.Lfunc_end0:
.L_simem_size_0:
called_computation.2_lowered:
.L_overlay_start_0:
0x88: {  	s2 =	sld [smem:$0x3FD9]  }
0x89: {  	s3 =	sld [smem:$0x3FFE];
	_ =	sdelay $0x1  }
0x8a: {  	s1 =	srdreg.scid  }
0x8b: {  	s0 =	sand.u32 $0x1, s1  }
0x8c: {  	s17 =	sshll.u32 s0, $0xA;
	s2 =	sadd.s32 s3, s2  }
0x8d: {  	s2 =	sadd.s32 s2, s17  }
0x8e: {  	[smem:$0x3FBE] =	sst s2  }
0x8f: {  	_ = 	snop  }
0x90: {  	s2 =	sld [smem:$0x3FD0];
	(tm) =	ssettm $0x1  }
0x91: {  	s18 =	sld [smem:$0x3FFB];
	_ =	sdelay $0x3  }
0x92: {  	_ =	strace s18  }
0x93: {  	s3 =	sld [smem:$0x3FFC];
	_ =	sdelay $0x3  }
0x94: {  	_ =	strace s3  }
0x95: {  	s3 =	sld [smem:$0x3FFD];
	_ =	sdelay $0x3  }
0x96: {  	_ =	strace s3  }
0x97: {  	_ =	strace $0x8FFFFFFF  }
0x98: {  	s19 =	sld [smem:$0x3FDB];
	_ =	sdelay $0x1  }
0x99: {  	s4 =	simm.s32 $_scs_section_size  }
0x9a: {  	s5 =	simm.s32 $_size__tile_overlayer_lowered;
	s6 =	simm.s32 $_tile_overlayer_lowered  }
0x9b: {  	s22 =	simm.s32 $0x1BFF;
	s21 =	sshll.u32 s6, $0x1;
	s3 =	sadd.s32 s4, s19  }
0x9c: {  	s7 =	simm.s32 $0x0;
	s20 =	sshll.u32 s5, $0x1;
	s5 =	sadd.s32 s21, s3  }
0x9d: {  	[timem:s7], [sflag:s22] =	dma.local [hbm:s5], s20  }
0x9e: {  	_ =	swait.ge [sflag:s22], s20  }
0x9f: {  	s4 =	ssub.s32 $0x0, s20;
	[sflag:s22] =	ssyncset.done $0x0  }
0xa0: {  	[sflag:s22] =	ssyncadd.s32 s4;
	_ =	sdelay $0x1  }
0xa1: {  	s23 =	simm.s32 $0x1B8B  }
0xa2: {  	_ =	swait.ge [sflag:s23], $0x1  }
0xa3: {  	[sflag:s23] =	ssyncset.done $0x0  }
0xa4: {  	s25 =	simm.s32 $0x1B8E;
	s24 =	sld [smem:$0x3FFE];
	[sflag:s23] =	ssyncadd.s32 $0xFFFFFFFF  }
0xa5: {  	s26 =	simm.s32 $execute0_lowered;
	[smem:$0x3FD2] =	sst s25  }
0xa6: {  	s5 =	sshll.u32 s26, $0x1;
	_ =	strace $0x8000004C;
	[dreg:$0x1] =	wrdreg $0xFFFFFFFF  }
0xa7: {  	s28 =	simm.s32 $_size_execute0_lowered;
	s3 =	sadd.s32 s3, s5;
	[dreg:$0x0] =	wrdreg $0x0  }
0xa8: {  	s5 =	sshll.u32 s28, $0x1;
	[dreg:$0x2] =	wrdreg s3  }
0xa9: {  	[dreg:$0x3] =	wrdreg s5  }
0xaa: {  	[dreg:$0x4] =	wrdreg $0xC0  }
0xab: {  	_ =	task [dreg:s7], $0x5FFFF  }
0xac: {  	[dreg:$0x1] =	wrdreg $0xFFFFFFFF  }
0xad: {  	[dreg:$0x0] =	wrdreg $0x60  }
0xae: {  	[dreg:$0x2] =	wrdreg s24  }
0xaf: {  	[dreg:$0x3] =	wrdreg s2  }
0xb0: {  	[dreg:$0x4] =	wrdreg $0x82000  }
0xb1: {  	[dreg:$0x5] =	wrdreg $0x9  }
0xb2: {  	_ =	task.clear_ibuf [dreg:s7], $0x6FFFF;
	_ =	strace $0x9000004C  }
0xb3: {  	s29 =	simm.s32 $0x9;
	_ =	strace $0x8000004E  }
0xb4: {  	_ =	swait.ge [sflag:s29], $0x1  }
0xb5: {  	[sflag:s29] =	ssyncadd.s32 $0xFFFFFFFF  }
0xb6: {  	_ =	strace $0x9000004E  }
0xb7: {  	_ =	sfence  }
0xb8: {  	s30 =	sld [smem:$0x0];
	_ =	sdelay $0x2  }
0xb9: {  	s31 =	sshll.u32 s1, $0xD;
	s1 =	sshrl.u32 s1, $0x2  }
0xba: {  	s3 =	sand.u32 $0x4000, s31;
	s1 =	sadd.s32 s1, s30  }
0xbb: {  	s0 =	sor.u32 s3, s0;
	s1 =	sshll.u32 s1, $0x11  }
0xbc: {  	s0 =	sor.u32 s1, s0  }
0xbd: {  	s0 =	sadd.s32 $0x8F2B, s0  }
0xbe: {  	[sflag:s0] =	ssyncadd.remote.s32 $0x1  }
0xbf: {  	_ =	sfence.sel $0xFFFF  }
0xc0: {  	[dreg:$0x0] =	wrdreg $0xFFFFFFFF;
	(pc) =	sbr.abs _section_cstart, $3  }
0xc1: {  	[dreg:$0x1] =	wrdreg $0xFFFFFFFF  }
0xc2: {  	_ =	task.clear_ibuf [dreg:s7], $0x2FFFF;
	_ =	strace $0x9FFFFFFF  }
0xc3: {  	(tm) =	ssettm $0x7FFFFFFF  }
tec
execute0_lowered:
.L_overlay_start_1:
0x0: {  	(tag) =	ssettag $0x1  }
0x1: {  	s0 =	rddreg [dreg:$0x0]  }
0x2: {  	s2 =	rddreg [dreg:$0x1]  }
0x3: {  	s3 =	rddreg [dreg:$0x2]  }
0x4: {  	s12 =	stileid.u32;
	s1 =	srdreg.scid;
	s4 =	simm.s32 $0x0  }
0x5: {  	s28 =	simm.s32 $0x180;
	s29 =	simm.s32 $0x4200;
	s30 =	simm.s32 $0x1  }
0x6: {  	s31 =	simm.s32 $0x2;
	s6 =	smul.u32 $0x14000, s12;
	s1 =	sand.u32 $0x1, s1  }
0x7: {  	[smem:$0x7FF] =	sst s4;
	s5 =	sadd.s32 $0x5F600, s0;
	s10 =	smul.u32 $0x50000, s12  }
0x8: {  	s11 =	sshll.u32 s12, $0x1;
	s21 =	sshll.u32 s12, $0x6;
	s15 =	smul.u32 $0x4F00, s12  }
0x9: {  	s7 =	smul.u32 $0x140000, s1;
	_ =	strace $0x8000004D;
	s9 =	ssub.s32 $0x2, s1  }
0xa: {  	s11 =	sor.u32 s1, s11;
	s1 =	smul.u32 $0x2780, s1;
	s8 =	sshrl.u32 s6, $0x3  }
0xb: {  	s18 =	sshrl.u32 s9, $0x1;
	s19 =	sshrl.u32 s10, $0x2;
	s20 =	smul.u32 $0x2780, s11  }
0xc: {  	s7 =	sadd.s32 s6, s7;
	s6 =	sadd.s32 $0x5800, s0;
	s8 =	sadd.s32 s8, s0  }
0xd: {  	s25 =	sadd.s32 s1, s15;
	s7 =	sshrl.u32 s7, $0x3;
	s8 =	sadd.s32 $0x87600, s8  }
0xe: {  	s10 =	sshrl.u32 s20, $0x3;
	s1 =	sadd.s32 $0x180, s25;
	s26 =	sadd.s32 $0x80, s25  }
0xf: {  	s0 =	sadd.s32 s7, s0;
	s7 =	ssub.s32 s9, s18;
	s18 =	sadd.s32 s19, s3  }
0x10: {  	[dreg:$0x4] =	wrdreg s8;
	s8 =	sor.u32 $0x1C05, s21;
	s9 =	sadd.s32 s6, s10  }
0x11: {  	s13 =	sadd.s32 $0x4E0, s10;
	s10 =	sadd.s32 s2, s10;
	s1 =	sshrl.u32 s1, $0x3  }
0x12: {  	s19 =	sshrl.u32 s26, $0x3;
	s21 =	simm.s32 $0x5;
	s26 =	simm.s32 $0x4  }
0x13: {  	s22 =	sadd.s32 $0x10, s9;
	s23 =	sadd.s32 s6, s13;
	s24 =	sadd.s32 s2, s13  }
0x14: {  	s14 =	sadd.s32 $0xAF600, s0;
	s15 =	smax.u32 s7, $0x1;
	s16 =	sadd.s32 $0x4D0, s10  }
0x15: {  	s17 =	sadd.s32 s1, s6;
	s7 =	sadd.s32 $0x100, s25;
	[dreg:$0x5] =	wrdreg s22  }
0x16: {  	s19 =	sadd.s32 s19, s2;
	s20 =	sshrl.u32 s18, $0x3;
	[dreg:$0x6] =	wrdreg s23  }
0x17: {  	s25 =	simm.s32 $0x200;
	s0 =	simm.s32 $0x0;
	[dreg:$0x7] =	wrdreg s24  }
0x18: {  	s22 =	simm.s32 $0x3;
	s23 =	simm.s32 $0x100;
	s24 =	simm.s32 $0x80  }
.LBB2_1:
0x19: {  	s1 =	rddreg [dreg:$0x4]  }
0x1a: {  	[spmem:s20], [sflag:s8] =	dma.local [hbm:s1], $0x2800  }
0x1b: {  	_ =	swait.ge [sflag:s21], $0x2800  }
0x1c: {  	[sflag:s21] =	ssyncset.done $0x0  }
0x1d: {  	[sflag:s21] =	ssyncadd.s32 $0xFFFFD800  }
0x1e: {  	[bflag:$0x0] =	sbarrier.arrive $0xFFFF  }
0x1f: {  	[tilespmem:s4], [sflag:$0x3] =	stream.linear.gather [hbm4b:s9+s4], $0x80, $0x38;
	[tilespmem:$0x1C200] =	vst v63  }
0x20: {  	_ =	swait.ge [sflag:s22], $0x80  }
0x21: {  	[sflag:s22] =	ssyncset.done $0x0  }
0x22: {  	[sflag:s22] =	ssyncadd.s32 $0xFFFFFF80  }
0x23: {  	[tilespmem:s23], [sflag:$0x5] =	stream.linear.gather [hbm4b:s10+s4], $0x80, $0x38;
	[tilespmem:$0x1C200] =	vst v63  }
0x24: {  	_ =	swait.ge [sflag:s21], $0x80  }
0x25: {  	[sflag:s21] =	ssyncset.done $0x0  }
0x26: {  	[sflag:s21] =	ssyncadd.s32 $0xFFFFFF80  }
0x27: {  	[tilespmem:s25], [sflag:$0x1] =	stream.indirect.gather [hbm4b:s5+s24], $0x80, s4, s24, $0xb8;
	[tilespmem:$0x1C200] =	vst v63  }
0x28: {  	s11 =	rddreg [dreg:$0x5]  }
0x29: {  	[tilespmem:s24], [sflag:$0x4] =	stream.linear.gather [hbm4b:s11+s4], $0x80, $0x38;
	[tilespmem:$0x1C200] =	vst v63  }
0x2a: {  	_ =	swait.ge [sflag:s26], $0x80  }
0x2b: {  	[sflag:s26] =	ssyncset.done $0x0  }
0x2c: {  	s12 =	sadd.s32 $0x0, s19;
	[sflag:s26] =	ssyncadd.s32 $0xFFFFFF80  }
0x2d: {  	[tilespmem:s28], [sflag:$0x5] =	stream.linear.gather [hbm4b:s12+s4], $0x80, $0x38;
	[tilespmem:$0x1C200] =	vst v63  }
0x2e: {  	_ =	swait.ge [sflag:s21], $0x80  }
0x2f: {  	[sflag:s21] =	ssyncset.done $0x0  }
0x30: {  	[sflag:s21] =	ssyncadd.s32 $0xFFFFFF80  }
0x31: {  	[tilespmem:s29], [sflag:$0x2] =	stream.indirect.gather [hbm4b:s5+s24], $0x80, s24, s24, $0xb8;
	[tilespmem:$0x1C200] =	vst v63  }
0x32: {  	_ =	swait.ge [sflag:s30], $0x4000  }
0x33: {  	s13 =	sshrl.u32 s7, $0x3;
	[sflag:s30] =	ssyncset.done $0x0  }
0x34: {  	s18 =	sadd.s32 s6, s13;
	[sflag:s30] =	ssyncadd.s32 $0xFFFFC000  }
0x35: {  	[tilespmem:s4], [sflag:$0x3] =	stream.linear.gather [hbm4b:s18+s4], $0x80, $0x38;
	[tilespmem:$0x1C200] =	vst v63  }
0x36: {  	_ = 	snop  }
0x37: {  	[spmem:s3] =	stream.indirect.scatter.add.f32 [tilespmem:s25], [sflag:$0x5], $0x80, s23, s24, $0xb8;
	[tilespmem:$0x1C200] =	vst v63  }
0x38: {  	_ =	swait.ge [sflag:s21], $0x4000  }
0x39: {  	[sflag:s21] =	ssyncset.done $0x0  }
0x3a: {  	[sflag:s21] =	ssyncadd.s32 $0xFFFFC000  }
0x3b: {  	_ =	swait.ge [sflag:s22], $0x80  }
0x3c: {  	[sflag:s22] =	ssyncset.done $0x0  }
0x3d: {  	s1 =	sadd.s32 s2, s13;
	[sflag:s22] =	ssyncadd.s32 $0xFFFFFF80  }
0x3e: {  	[tilespmem:s23], [sflag:$0x5] =	stream.linear.gather [hbm4b:s1+s4], $0x80, $0x38;
	[tilespmem:$0x1C200] =	vst v63  }
0x3f: {  	_ =	swait.ge [sflag:s21], $0x80  }
0x40: {  	[sflag:s21] =	ssyncset.done $0x0  }
0x41: {  	[sflag:s21] =	ssyncadd.s32 $0xFFFFFF80  }
0x42: {  	[tilespmem:s25], [sflag:$0x1] =	stream.indirect.gather [hbm4b:s5+s24], $0x80, s4, s24, $0xb8;
	[tilespmem:$0x1C200] =	vst v63  }
0x43: {  	_ =	swait.ge [sflag:s31], $0x4000  }
0x44: {  	[sflag:s31] =	ssyncset.done $0x0  }
0x45: {  	s18 =	sadd.s32 $0x0, s17;
	[sflag:s31] =	ssyncadd.s32 $0xFFFFC000  }
0x46: {  	[tilespmem:s24], [sflag:$0x4] =	stream.linear.gather [hbm4b:s18+s4], $0x80, $0x38;
	[tilespmem:$0x1C200] =	vst v63  }
0x47: {  	_ = 	snop  }
0x48: {  	[spmem:s3] =	stream.indirect.scatter.add.f32 [tilespmem:s29], [sflag:$0x5], $0x80, s28, s24, $0xb8;
	[tilespmem:$0x1C200] =	vst v63  }
0x49: {  	_ =	swait.ge [sflag:s21], $0x4000  }
0x4a: {  	s1 =	simm.s32 $0x20;
	s18 =	smov.u32 s7;
	[sflag:s21] =	ssyncset.done $0x0  }
.LBB2_2:
0x4b: {  	p0 =	sne.s32 s1, $0x4A0;
	[sflag:s21] =	ssyncadd.s32 $0xFFFFC000;
	s18 =	sadd.s32 $0x100, s18  }
0x4c: {  	s11 =	smov.u32 s1;
	s1 =	sadd.s32 $0x20, s1  }
0x4d: {  	_ =	swait.ge [sflag:s26], $0x80  }
0x4e: {  	[sflag:s26] =	ssyncset.done $0x0  }
0x4f: {  	s12 =	sadd.s32 s11, s19;
	[sflag:s26] =	ssyncadd.s32 $0xFFFFFF80  }
0x50: {  	[tilespmem:s28], [sflag:$0x5] =	stream.linear.gather [hbm4b:s12+s4], $0x80, $0x38;
	[tilespmem:$0x1C200] =	vst v63  }
0x51: {  	_ =	swait.ge [sflag:s21], $0x80  }
0x52: {  	[sflag:s21] =	ssyncset.done $0x0  }
0x53: {  	[sflag:s21] =	ssyncadd.s32 $0xFFFFFF80  }
0x54: {  	[tilespmem:s29], [sflag:$0x2] =	stream.indirect.gather [hbm4b:s5+s24], $0x80, s24, s24, $0xb8;
	[tilespmem:$0x1C200] =	vst v63  }
0x55: {  	_ =	swait.ge [sflag:s30], $0x4000  }
0x56: {  	s12 =	sshrl.u32 s18, $0x3;
	[sflag:s30] =	ssyncset.done $0x0  }
0x57: {  	s13 =	sadd.s32 s6, s12;
	[sflag:s30] =	ssyncadd.s32 $0xFFFFC000  }
0x58: {  	[tilespmem:s4], [sflag:$0x3] =	stream.linear.gather [hbm4b:s13+s4], $0x80, $0x38;
	[tilespmem:$0x1C200] =	vst v63  }
0x59: {  	_ = 	snop  }
0x5a: {  	[spmem:s3] =	stream.indirect.scatter.add.f32 [tilespmem:s25], [sflag:$0x5], $0x80, s23, s24, $0xb8;
	[tilespmem:$0x1C200] =	vst v63  }
0x5b: {  	_ =	swait.ge [sflag:s21], $0x4000  }
0x5c: {  	[sflag:s21] =	ssyncset.done $0x0  }
0x5d: {  	[sflag:s21] =	ssyncadd.s32 $0xFFFFC000  }
0x5e: {  	_ =	swait.ge [sflag:s22], $0x80  }
0x5f: {  	[sflag:s22] =	ssyncset.done $0x0  }
0x60: {  	s12 =	sadd.s32 s2, s12;
	[sflag:s22] =	ssyncadd.s32 $0xFFFFFF80  }
0x61: {  	[tilespmem:s23], [sflag:$0x5] =	stream.linear.gather [hbm4b:s12+s4], $0x80, $0x38;
	[tilespmem:$0x1C200] =	vst v63  }
0x62: {  	_ =	swait.ge [sflag:s21], $0x80  }
0x63: {  	[sflag:s21] =	ssyncset.done $0x0  }
0x64: {  	[sflag:s21] =	ssyncadd.s32 $0xFFFFFF80  }
0x65: {  	[tilespmem:s25], [sflag:$0x1] =	stream.indirect.gather [hbm4b:s5+s24], $0x80, s4, s24, $0xb8;
	[tilespmem:$0x1C200] =	vst v63  }
0x66: {  	_ =	swait.ge [sflag:s31], $0x4000  }
0x67: {  	[sflag:s31] =	ssyncset.done $0x0  }
0x68: {  	s11 =	sadd.s32 s11, s17;
	[sflag:s31] =	ssyncadd.s32 $0xFFFFC000  }
0x69: {  	[tilespmem:s24], [sflag:$0x4] =	stream.linear.gather [hbm4b:s11+s4], $0x80, $0x38;
	[tilespmem:$0x1C200] =	vst v63  }
.Ltmp0:
0x6a: {  	_ = 	snop;
	(pc) =	sbr.rel @p0 .LBB2_2-.Ltmp0, $4  }
0x6b: {  	_ = 	snop  }
0x6c: {  	[spmem:s3] =	stream.indirect.scatter.add.f32 [tilespmem:s29], [sflag:$0x5], $0x80, s28, s24, $0xb8;
	[tilespmem:$0x1C200] =	vst v63  }
0x6d: {  	_ =	swait.ge [sflag:s21], $0x4000  }
0x6e: {  	[sflag:s21] =	ssyncset.done $0x0  }
0x6f: {  	[sflag:s21] =	ssyncadd.s32 $0xFFFFC000  }
0x70: {  	_ =	swait.ge [sflag:s26], $0x80  }
0x71: {  	[sflag:s26] =	ssyncset.done $0x0  }
0x72: {  	[sflag:s26] =	ssyncadd.s32 $0xFFFFFF80  }
0x73: {  	[tilespmem:s28], [sflag:$0x5] =	stream.linear.gather [hbm4b:s16+s4], $0x80, $0x38;
	[tilespmem:$0x1C200] =	vst v63  }
0x74: {  	_ =	swait.ge [sflag:s21], $0x80  }
0x75: {  	[sflag:s21] =	ssyncset.done $0x0  }
0x76: {  	[sflag:s21] =	ssyncadd.s32 $0xFFFFFF80  }
0x77: {  	[tilespmem:s29], [sflag:$0x2] =	stream.indirect.gather [hbm4b:s5+s24], $0x80, s24, s24, $0xb8;
	[tilespmem:$0x1C200] =	vst v63  }
0x78: {  	_ =	swait.ge [sflag:s30], $0x4000  }
0x79: {  	[sflag:s30] =	ssyncset.done $0x0  }
0x7a: {  	[sflag:s30] =	ssyncadd.s32 $0xFFFFC000  }
0x7b: {  	[spmem:s3] =	stream.indirect.scatter.add.f32 [tilespmem:s25], [sflag:$0x5], $0x80, s23, s24, $0xb8;
	[tilespmem:$0x1C200] =	vst v63  }
0x7c: {  	_ =	swait.ge [sflag:s21], $0x4000  }
0x7d: {  	[sflag:s21] =	ssyncset.done $0x0  }
0x7e: {  	[sflag:s21] =	ssyncadd.s32 $0xFFFFC000  }
0x7f: {  	_ =	swait.ge [sflag:s31], $0x4000  }
0x80: {  	[sflag:s31] =	ssyncset.done $0x0  }
0x81: {  	[sflag:s31] =	ssyncadd.s32 $0xFFFFC000  }
0x82: {  	[spmem:s3] =	stream.indirect.scatter.add.f32 [tilespmem:s29], [sflag:$0x5], $0x80, s28, s24, $0xb8;
	[tilespmem:$0x1C200] =	vst v63  }
0x83: {  	_ =	swait.ge [sflag:s21], $0x4000  }
0x84: {  	[sflag:s21] =	ssyncset.done $0x0  }
0x85: {  	s1 =	rddreg [dreg:$0x6];
	[sflag:s21] =	ssyncadd.s32 $0xFFFFC000  }
0x86: {  	[tilespmem:s4], [sflag:$0x3] =	stream.linear.gather [hbm4b:s1+s4], $0x80, $0x38;
	[tilespmem:$0x1C200] =	vst v63  }
0x87: {  	_ =	swait.ge [sflag:s22], $0x80  }
0x88: {  	[sflag:s22] =	ssyncset.done $0x0  }
0x89: {  	s18 =	rddreg [dreg:$0x7];
	[sflag:s22] =	ssyncadd.s32 $0xFFFFFF80  }
0x8a: {  	[tilespmem:s23], [sflag:$0x5] =	stream.linear.gather [hbm4b:s18+s4], $0x80, $0x38;
	[tilespmem:$0x1C200] =	vst v63  }
0x8b: {  	_ =	swait.ge [sflag:s21], $0x80  }
0x8c: {  	[sflag:s21] =	ssyncset.done $0x0  }
0x8d: {  	[sflag:s21] =	ssyncadd.s32 $0xFFFFFF80  }
0x8e: {  	[tilespmem:s25], [sflag:$0x1] =	stream.indirect.gather [hbm4b:s5+s24], $0x80, s4, s24, $0xb8;
	[tilespmem:$0x1C200] =	vst v63  }
0x8f: {  	_ =	swait.ge [sflag:s30], $0x4000  }
0x90: {  	[sflag:s30] =	ssyncset.done $0x0  }
0x91: {  	[sflag:s30] =	ssyncadd.s32 $0xFFFFC000  }
0x92: {  	[spmem:s3] =	stream.indirect.scatter.add.f32 [tilespmem:s25], [sflag:$0x5], $0x80, s23, s24, $0xb8;
	[tilespmem:$0x1C200] =	vst v63  }
0x93: {  	_ =	swait.ge [sflag:s21], $0x4000  }
0x94: {  	s0 =	sadd.s32 $0x1, s0;
	[sflag:s21] =	ssyncset.done $0x0  }
0x95: {  	p0 =	sne.s32 s0, s15;
	[sflag:s21] =	ssyncadd.s32 $0xFFFFC000  }
.Ltmp1:
0x96: {  	[bflag:$0x0] =	sbarrier.arrive $0xFFFF;
	(pc) =	sbr.rel @p0 .LBB2_1-.Ltmp1, $4  }
0x97: {  	[hbm:s14], [sflag:s8] =	dma.local [spmem:s20], $0x2800  }
0x98: {  	_ =	swait.ge [sflag:s21], $0x2800  }
0x99: {  	[sflag:s21] =	ssyncset.done $0x0  }
0x9a: {  	[sflag:s21] =	ssyncadd.s32 $0xFFFFD800  }
0x9b: {  	_ =	sfence.sel $0x180000  }
0x9c: {  	[bflag:$0x0] =	sbarrier.arrive $0xFFFF  }
0x9d: {  	_ =	strace $0x9000004D  }
0x9e: {  	s0 =	stileid.u32;
	[bflag:$0x2] =	sbarrier.arrive $0xFFFF  }
0x9f: {  	p0 =	sne.s32 s0, $0x0;
	s0 =	rddreg [dreg:$0x3]  }
0xa0: {  	s0 =	sadd.s32 @!p0 $0x100000, s0  }
0xa1: {  	[sflag:s0] =	ssyncadd.tile.s32 @!p0 $0x1;
	_ =	shalt  }
.Lfunc_end2:
_tile_overlayer_lowered:
.L_overlay_start_2:
0xa2: {  	(tag) =	ssettag $0x2  }
0xa3: {  	s0 =	rddreg [dreg:$0x0];
	s2 =	stileid.u32  }
0xa4: {  	s1 =	rddreg [dreg:$0x1];
	p0 =	sne.s32 s2, $0x0  }
0xa5: {  	s3 =	rddreg [dreg:$0x2];
	[bflag:$0x3] =	sbarrier.arrive $0xFFFF;
	s2 =	simm.s32 @!p0 $0x1C05  }
0xa6: {  	[timem:s3], [sflag:s2] =	dma.local @!p0 [hbm:s0], s1  }
0xa7: {  	s0 =	simm.s32 @!p0 $0x5  }
0xa8: {  	_ =	swait.ge @!p0 [sflag:s0], s1  }
0xa9: {  	s1 =	ssub.s32 @!p0 $0x0, s1;
	[sflag:s0] =	ssyncset.done @!p0 $0x0  }
0xaa: {  	[sflag:s0] =	ssyncadd.s32 @!p0 s1  }
0xab: {  	[bflag:$0x3] =	sbarrier.arrive $0xFFFF  }
0xac: {  	_ =	shalt  }

// kernel: kernel.9.cloned.1.call-start
scs
__scs_entry_jumppad:
0x0: {  	(pc) =	sbr.rel $0x88, $3  }
0x1: {  	(tag) =	ssettag $0x0;
	lr =	simm.s32 $0x1  }
0x2: {  	[smem:$0x3F97] =	sst lr;
	_ =	strace $0xD0000000  }
0x3: {  	_ = 	snop  }
0x4: {  	_ = 	snop  }
0x5: {  	_ = 	snop  }
0x6: {  	_ = 	snop  }
0x7: {  	_ = 	snop  }
__scs_overlays_trampoline_lowered:
0x8: {  	[smem:$0x3FA6] =	sst s0  }
0x9: {  	[smem:$0x3FA7] =	sst s1  }
0xa: {  	[smem:$0x3FA8] =	sst s2  }
0xb: {  	[smem:$0x3FA9] =	sst s3  }
0xc: {  	[smem:$0x3FAA] =	sst s4  }
0xd: {  	[smem:$0x3FAB] =	sst s5  }
0xe: {  	[smem:$0x3FAC] =	sst s6  }
0xf: {  	[smem:$0x3FAD] =	sst s7  }
0x10: {  	[smem:$0x3FAE] =	sst s8  }
0x11: {  	[smem:$0x3FAF] =	sst s9;
	s0 =	simm.s32 @!p0 $0x0  }
0x12: {  	s1 =	sld [smem:$0x3F95];
	s0 =	simm.s32 @p0 $0x1  }
0x13: {  	[smem:$0x3FB0] =	sst s0;
	s0 =	simm.s32 @!p1 $0x0  }
0x14: {  	s2 =	sld [smem:$0x3F94];
	s0 =	simm.s32 @p1 $0x1  }
0x15: {  	[smem:$0x3FB1] =	sst s0;
	s0 =	simm.s32 @!p2 $0x0  }
0x16: {  	s3 =	sld [smem:$0x3FDB];
	s0 =	simm.s32 @p2 $0x1  }
0x17: {  	s4 =	simm.s32 $0x1BF5;
	[smem:$0x3FB3] =	sst s0  }
0x18: {  	s0 =	sld [smem:$0x3F96];
	_ =	swait.ge [sflag:s4], $0x0  }
0x19: {  	s7 =	sld [smem:$0x3F97]  }
0x1a: {  	s8 =	sadd.s32 $0xFFFFE003, lr  }
0x1b: {  	s9 =	sadd.s32 $0xFFFFFEF7, lr;
	s5 =	simm.s32 $0xFFFFFFFF;
	p2 =	slt.u32 s8, $0xFFFFF086  }
0x1c: {  	p1 =	slt.u32 s9, $0xF7A;
	s5 =	simm.s32 @!p2 $0x0  }
0x1d: {  	s5 =	simm.s32 @p1 $0x1;
	p0 =	seq.s32 s7, s2  }
0x1e: {  	s7 =	smul.u32 @!p0 $0xF7A, s2;
	p2 =	seq.s32 @!p0 s5, $0x0  }
0x1f: {  	s9 =	smul.u32 $0xF7A, s1;
	s8 =	simm.s32 @!p0 $0x1BF5;
	p2 =	por !p2, p0  }
0x20: {  	[sflag:s8] =	ssyncset.s32 @!p0 $0xFFFFF086;
	s6 =	sadd.s32 @!p0 s3, s7;
	s7 =	simm.s32 @!p0 $0x108  }
0x21: {  	s3 =	sadd.s32 s3, s9;
	s6 =	sadd.s32 @!p0 $0x88, s6;
	s7 =	simm.s32 @p2 $0x1082  }
0x22: {  	[simem:s7], [sflag:s8] =	dma.local @!p0 [hbm:s6], $0xF7A  }
0x23: {  	s9 =	sor.u32 $0xD0000000, s2;
	s6 =	simm.s32 $0x108;
	_ =	swait.ge @!p0 [sflag:s8], $0x0  }
0x24: {  	s3 =	sadd.s32 $0x88, s3;
	s6 =	simm.s32 @!p1 $0x1082;
	[sflag:s4] =	ssyncset.s32 $0xFFFFF086  }
0x25: {  	[simem:s6], [sflag:s4] =	dma.local [hbm:s3], $0xF7A  }
0x26: {  	[smem:$0x3F97] =	sst s1;
	(tag) =	ssettag s2;
	_ =	strace s9  }
0x27: {  	s1 =	sld [smem:$0x3FA7]  }
0x28: {  	s2 =	sld [smem:$0x3FA8]  }
0x29: {  	s4 =	sld [smem:$0x3FAA]  }
0x2a: {  	p0 =	seq.s32 s5, $0x0;
	s5 =	sld [smem:$0x3FAB]  }
0x2b: {  	s6 =	sld [smem:$0x3FAC]  }
0x2c: {  	s7 =	sld [smem:$0x3FAD]  }
0x2d: {  	s3 =	simm.s32 $0x108;
	s8 =	sld [smem:$0x3FAE]  }
0x2e: {  	s3 =	simm.s32 @!p0 $0x1082;
	s9 =	sld [smem:$0x3FAF]  }
0x2f: {  	lr =	sadd.s32 s0, s3;
	s0 =	sld [smem:$0x3FA6]  }
0x30: {  	s3 =	sld [smem:$0x3FA9]  }
0x31: {  	[smem:$0x3FB2] =	sst s10  }
0x32: {  	s10 =	sld [smem:$0x3FB0];
	_ =	sdelay $0x3  }
0x33: {  	p0 =	seq.s32 s10, $0x1;
	s10 =	sld [smem:$0x3FB2];
	_ =	sdelay $0x3  }
0x34: {  	[smem:$0x3FB2] =	sst s10  }
0x35: {  	s10 =	sld [smem:$0x3FB1];
	_ =	sdelay $0x3  }
0x36: {  	p1 =	seq.s32 s10, $0x1;
	s10 =	sld [smem:$0x3FB2];
	_ =	sdelay $0x3  }
0x37: {  	[smem:$0x3FB2] =	sst s10  }
0x38: {  	s10 =	sld [smem:$0x3FB3]  }
0x39: {  	_ = 	snop;
	(pc) =	sbr.ind lr, $3  }
0x3a: {  	_ = 	snop  }
0x3b: {  	_ = 	snop  }
0x3c: {  	p2 =	seq.s32 s10, $0x1;
	s10 =	sld [smem:$0x3FB2]  }
0x3d: {  	_ =	shalt  }
0x3e: {  	_ =	shalt  }
0x3f: {  	_ =	shalt  }
0x40: {  	_ =	shalt  }
0x41: {  	_ =	shalt  }
0x42: {  	_ =	shalt  }
0x43: {  	_ =	shalt  }
0x44: {  	_ =	shalt  }
0x45: {  	_ =	shalt  }
0x46: {  	_ =	shalt  }
0x47: {  	_ =	shalt  }
0x48: {  	_ =	shalt  }
0x49: {  	_ =	shalt  }
0x4a: {  	_ =	shalt  }
0x4b: {  	_ =	shalt  }
0x4c: {  	_ =	shalt  }
0x4d: {  	_ =	shalt  }
0x4e: {  	_ =	shalt  }
0x4f: {  	_ =	shalt  }
0x50: {  	_ =	shalt  }
0x51: {  	_ =	shalt  }
0x52: {  	_ =	shalt  }
0x53: {  	_ =	shalt  }
0x54: {  	_ =	shalt  }
0x55: {  	_ =	shalt  }
0x56: {  	_ =	shalt  }
0x57: {  	_ =	shalt  }
0x58: {  	_ =	shalt  }
0x59: {  	_ =	shalt  }
0x5a: {  	_ =	shalt  }
0x5b: {  	_ =	shalt  }
0x5c: {  	_ =	shalt  }
0x5d: {  	_ =	shalt  }
0x5e: {  	_ =	shalt  }
0x5f: {  	_ =	shalt  }
0x60: {  	_ =	shalt  }
0x61: {  	_ =	shalt  }
0x62: {  	_ =	shalt  }
0x63: {  	_ =	shalt  }
0x64: {  	_ =	shalt  }
0x65: {  	_ =	shalt  }
0x66: {  	_ =	shalt  }
0x67: {  	_ =	shalt  }
0x68: {  	_ =	shalt  }
0x69: {  	_ =	shalt  }
0x6a: {  	_ =	shalt  }
0x6b: {  	_ =	shalt  }
0x6c: {  	_ =	shalt  }
0x6d: {  	_ =	shalt  }
0x6e: {  	_ =	shalt  }
0x6f: {  	_ =	shalt  }
0x70: {  	_ =	shalt  }
0x71: {  	_ =	shalt  }
0x72: {  	_ =	shalt  }
0x73: {  	_ =	shalt  }
0x74: {  	_ =	shalt  }
0x75: {  	_ =	shalt  }
0x76: {  	_ =	shalt  }
0x77: {  	_ =	shalt  }
0x78: {  	_ =	shalt  }
0x79: {  	_ =	shalt  }
0x7a: {  	_ =	shalt  }
0x7b: {  	_ =	shalt  }
0x7c: {  	_ =	shalt  }
0x7d: {  	_ =	shalt  }
0x7e: {  	_ =	shalt  }
0x7f: {  	_ =	shalt  }
0x80: {  	_ =	shalt  }
0x81: {  	_ =	shalt  }
0x82: {  	_ =	shalt  }
0x83: {  	_ =	shalt  }
0x84: {  	_ =	shalt  }
0x85: {  	_ =	shalt  }
0x86: {  	_ =	shalt  }
0x87: {  	_ =	shalt  }
.Lfunc_end0:
.L_simem_size_0:
called_computation_lowered:
.L_overlay_start_0:
0x88: {  	s2 =	sld [smem:$0x3FD9]  }
0x89: {  	s3 =	sld [smem:$0x3FFE];
	_ =	sdelay $0x1  }
0x8a: {  	s1 =	srdreg.scid  }
0x8b: {  	s0 =	sand.u32 $0x1, s1  }
0x8c: {  	s17 =	sshll.u32 s0, $0xA;
	s2 =	sadd.s32 s3, s2  }
0x8d: {  	s2 =	sadd.s32 s2, s17  }
0x8e: {  	[smem:$0x3FBE] =	sst s2  }
0x8f: {  	_ = 	snop  }
0x90: {  	s2 =	sld [smem:$0x3FD0];
	(tm) =	ssettm $0x1  }
0x91: {  	s18 =	sld [smem:$0x3FFB];
	_ =	sdelay $0x3  }
0x92: {  	_ =	strace s18  }
0x93: {  	s3 =	sld [smem:$0x3FFC];
	_ =	sdelay $0x3  }
0x94: {  	_ =	strace s3  }
0x95: {  	s3 =	sld [smem:$0x3FFD];
	_ =	sdelay $0x3  }
0x96: {  	_ =	strace s3  }
0x97: {  	_ =	strace $0x8FFFFFFF  }
0x98: {  	s19 =	sld [smem:$0x3FDB];
	_ =	sdelay $0x1  }
0x99: {  	s4 =	simm.s32 $_scs_section_size  }
0x9a: {  	s5 =	simm.s32 $_size__tile_overlayer_lowered;
	s6 =	simm.s32 $_tile_overlayer_lowered  }
0x9b: {  	s22 =	simm.s32 $0x1BFF;
	s21 =	sshll.u32 s6, $0x1;
	s3 =	sadd.s32 s4, s19  }
0x9c: {  	s7 =	simm.s32 $0x0;
	s20 =	sshll.u32 s5, $0x1;
	s5 =	sadd.s32 s21, s3  }
0x9d: {  	[timem:s7], [sflag:s22] =	dma.local [hbm:s5], s20  }
0x9e: {  	_ =	swait.ge [sflag:s22], s20  }
0x9f: {  	s4 =	ssub.s32 $0x0, s20;
	[sflag:s22] =	ssyncset.done $0x0  }
0xa0: {  	[sflag:s22] =	ssyncadd.s32 s4;
	_ =	sdelay $0x1  }
0xa1: {  	s23 =	simm.s32 $0x1B8B  }
0xa2: {  	_ =	swait.ge [sflag:s23], $0x1  }
0xa3: {  	[sflag:s23] =	ssyncset.done $0x0  }
0xa4: {  	s25 =	simm.s32 $0x1B8E;
	s24 =	sld [smem:$0x3FFE];
	[sflag:s23] =	ssyncadd.s32 $0xFFFFFFFF  }
0xa5: {  	s26 =	simm.s32 $execute0_lowered;
	[smem:$0x3FD2] =	sst s25  }
0xa6: {  	s5 =	sshll.u32 s26, $0x1;
	_ =	strace $0x80000046;
	[dreg:$0x1] =	wrdreg $0xFFFFFFFF  }
0xa7: {  	s28 =	simm.s32 $_size_execute0_lowered;
	s3 =	sadd.s32 s3, s5;
	[dreg:$0x0] =	wrdreg $0x0  }
0xa8: {  	s5 =	sshll.u32 s28, $0x1;
	[dreg:$0x2] =	wrdreg s3  }
0xa9: {  	[dreg:$0x3] =	wrdreg s5  }
0xaa: {  	[dreg:$0x4] =	wrdreg $0xC0  }
0xab: {  	_ =	task [dreg:s7], $0x5FFFF  }
0xac: {  	[dreg:$0x1] =	wrdreg $0xFFFFFFFF  }
0xad: {  	[dreg:$0x0] =	wrdreg $0x60  }
0xae: {  	[dreg:$0x2] =	wrdreg s2  }
0xaf: {  	[dreg:$0x3] =	wrdreg s24  }
0xb0: {  	[dreg:$0x4] =	wrdreg $0x1800  }
0xb1: {  	[dreg:$0x5] =	wrdreg $0x9  }
0xb2: {  	_ =	task.clear_ibuf [dreg:s7], $0x6FFFF;
	_ =	strace $0x90000046  }
0xb3: {  	s29 =	simm.s32 $0x9;
	_ =	strace $0x80000048  }
0xb4: {  	_ =	swait.ge [sflag:s29], $0x1  }
0xb5: {  	[sflag:s29] =	ssyncadd.s32 $0xFFFFFFFF  }
0xb6: {  	_ =	strace $0x90000048  }
0xb7: {  	_ =	sfence  }
0xb8: {  	s30 =	sld [smem:$0x0];
	_ =	sdelay $0x2  }
0xb9: {  	s31 =	sshll.u32 s1, $0xD;
	s1 =	sshrl.u32 s1, $0x2  }
0xba: {  	s3 =	sand.u32 $0x4000, s31;
	s1 =	sadd.s32 s1, s30  }
0xbb: {  	s0 =	sor.u32 s3, s0;
	s1 =	sshll.u32 s1, $0x11  }
0xbc: {  	s0 =	sor.u32 s1, s0  }
0xbd: {  	s0 =	sadd.s32 $0x8F2B, s0  }
0xbe: {  	[sflag:s0] =	ssyncadd.remote.s32 $0x1  }
0xbf: {  	_ =	sfence.sel $0xFFFF  }
0xc0: {  	[dreg:$0x0] =	wrdreg $0xFFFFFFFF;
	(pc) =	sbr.abs _section_cstart, $3  }
0xc1: {  	[dreg:$0x1] =	wrdreg $0xFFFFFFFF  }
0xc2: {  	_ =	task.clear_ibuf [dreg:s7], $0x2FFFF;
	_ =	strace $0x9FFFFFFF  }
0xc3: {  	(tm) =	ssettm $0x7FFFFFFF  }
tec
execute0_lowered:
.L_overlay_start_1:
0x0: {  	(tag) =	ssettag $0x1  }
0x1: {  	s2 =	rddreg [dreg:$0x0]  }
0x2: {  	s5 =	rddreg [dreg:$0x1]  }
0x3: {  	s3 =	rddreg [dreg:$0x2]  }
0x4: {  	s1 =	stileid.u32;
	s0 =	rddreg [dreg:$0x3]  }
0x5: {  	s4 =	simm.s32 $0x0;
	s8 =	srdreg.scid;
	s15 =	simm.s32 $0x3  }
0x6: {  	s16 =	simm.s32 $0x80;
	s17 =	simm.s32 $0x1;
	s18 =	simm.s32 $0x100  }
0x7: {  	s19 =	simm.s32 $0x2;
	s20 =	simm.s32 $0x20;
	s21 =	simm.s32 $0x10  }
0x8: {  	s22 =	simm.s32 $0x0;
	s6 =	smul.u32 $0x280, s1;
	[smem:$0x7FF] =	sst s4  }
0x9: {  	s8 =	sand.u32 $0x1, s8;
	s9 =	smul.u32 $0x500, s1;
	s10 =	sshll.u32 s1, $0x1  }
0xa: {  	s13 =	smul.u32 $0x4F00, s1;
	s30 =	sshll.u32 s1, $0x6;
	_ =	strace $0x80000047  }
0xb: {  	s11 =	sshll.u32 s8, $0x7;
	s10 =	sor.u32 s8, s10;
	s28 =	ssub.s32 $0x2, s8  }
0xc: {  	s8 =	smul.u32 $0x2780, s8;
	s7 =	sshrl.u32 s6, $0x3;
	s9 =	sor.u32 s11, s9  }
0xd: {  	s10 =	smul.u32 $0x2780, s10;
	s12 =	sshrl.u32 s28, $0x1;
	s14 =	sadd.s32 s6, s3  }
0xe: {  	s7 =	sadd.s32 s7, s5;
	s9 =	sshrl.u32 s9, $0x3;
	s11 =	ssub.s32 s28, s12  }
0xf: {  	s31 =	sadd.s32 s8, s13;
	s14 =	sshrl.u32 s14, $0x3;
	s9 =	sadd.s32 s9, s5  }
0x10: {  	s5 =	sadd.s32 $0x4800, s7;
	s29 =	sshrl.u32 s10, $0x3;
	s7 =	sor.u32 $0x1C03, s30  }
0x11: {  	s13 =	sadd.s32 $0x80, s31;
	s10 =	smax.u32 s11, $0x1;
	s12 =	sadd.s32 $0x100, s31  }
0x12: {  	s6 =	sadd.s32 s2, s29;
	s9 =	sadd.s32 $0x4E00, s9;
	s13 =	sshrl.u32 s13, $0x3  }
0x13: {  	v0 =	vimm.f32 $1.000000000e+00;
	s8 =	sadd.s32 $0x4E0, s6;
	s11 =	sadd.s32 $0x4D0, s6;
	s13 =	sadd.s32 s13, s2  }
.LBB2_1:
0x14: {  	[tilespmem:$0x100] =	vst v0  }
0x15: {  	[tilespmem:$0x110] =	vst v0  }
0x16: {  	[tilespmem:$0x120] =	vst v0  }
0x17: {  	[tilespmem:$0x130] =	vst v0  }
0x18: {  	[tilespmem:$0x140] =	vst v0  }
0x19: {  	[tilespmem:$0x150] =	vst v0  }
0x1a: {  	[tilespmem:$0x160] =	vst v0  }
0x1b: {  	[tilespmem:$0x170] =	vst v0  }
0x1c: {  	[spmem:s14], [sflag:s7] =	dma.local [hbm:s5], $0x50  }
0x1d: {  	_ =	swait.ge [sflag:s15], $0x50  }
0x1e: {  	[sflag:s15] =	ssyncset.done $0x0  }
0x1f: {  	[sflag:s15] =	ssyncadd.s32 $0xFFFFFFB0  }
0x20: {  	[bflag:$0x0] =	sbarrier.arrive $0xFFFF  }
0x21: {  	[tilespmem:s4], [sflag:$0x1] =	stream.linear.gather [hbm4b:s6+s4], $0x80, $0x38;
	[tilespmem:$0x400] =	vst v63  }
0x22: {  	s23 =	sadd.s32 $0x0, s13  }
0x23: {  	[tilespmem:s16], [sflag:$0x2] =	stream.linear.gather [hbm4b:s23+s4], $0x80, $0x38;
	[tilespmem:$0x400] =	vst v63  }
0x24: {  	_ =	swait.ge [sflag:s17], $0x80  }
0x25: {  	[sflag:s17] =	ssyncset.done $0x0  }
0x26: {  	[sflag:s17] =	ssyncadd.s32 $0xFFFFFF80  }
0x27: {  	[spmem:s3] =	stream.indirect.scatter.add.f32 [tilespmem:s18], [sflag:$0x3], $0x1, s4, s16, $0xb8;
	[tilespmem:$0x400] =	vst v63  }
0x28: {  	_ =	swait.ge [sflag:s15], $0x80  }
0x29: {  	s31 =	sshrl.u32 s12, $0x3;
	[sflag:s15] =	ssyncset.done $0x0  }
0x2a: {  	s23 =	sadd.s32 s2, s31;
	[sflag:s15] =	ssyncadd.s32 $0xFFFFFF80  }
0x2b: {  	[tilespmem:s4], [sflag:$0x1] =	stream.linear.gather [hbm4b:s23+s4], $0x80, $0x38;
	[tilespmem:$0x400] =	vst v63  }
0x2c: {  	_ =	swait.ge [sflag:s19], $0x80  }
0x2d: {  	[sflag:s19] =	ssyncset.done $0x0  }
0x2e: {  	[sflag:s19] =	ssyncadd.s32 $0xFFFFFF80  }
0x2f: {  	[spmem:s3] =	stream.indirect.scatter.add.f32 [tilespmem:s18], [sflag:$0x3], $0x1, s16, s16, $0xb8;
	[tilespmem:$0x400] =	vst v63  }
0x30: {  	s24 =	simm.s32 $0x20;
	_ =	swait.ge [sflag:s15], $0x80  }
0x31: {  	s25 =	simm.s32 $0x40;
	s23 =	sadd.s32 $0x100, s12;
	[sflag:s15] =	ssyncset.done $0x0  }
.LBB2_2:
0x32: {  	s26 =	sadd.s32 s24, s13  }
0x33: {  	[sflag:s15] =	ssyncadd.s32 $0xFFFFFF80;
	s24 =	smov.u32 s25;
	s28 =	sadd.s32 $0x20, s25  }
0x34: {  	[tilespmem:s16], [sflag:$0x2] =	stream.linear.gather [hbm4b:s26+s4], $0x80, $0x38;
	[tilespmem:$0x400] =	vst v63  }
0x35: {  	p0 =	sne.s32 s25, $0x4A0;
	_ =	swait.ge [sflag:s17], $0x80  }
0x36: {  	[sflag:s17] =	ssyncset.done $0x0  }
0x37: {  	[sflag:s17] =	ssyncadd.s32 $0xFFFFFF80  }
0x38: {  	[spmem:s3] =	stream.indirect.scatter.add.f32 [tilespmem:s18], [sflag:$0x3], $0x1, s4, s16, $0xb8;
	[tilespmem:$0x400] =	vst v63  }
0x39: {  	_ =	swait.ge [sflag:s15], $0x80  }
0x3a: {  	s25 =	sshrl.u32 s23, $0x3;
	[sflag:s15] =	ssyncset.done $0x0  }
0x3b: {  	s25 =	sadd.s32 s2, s25;
	[sflag:s15] =	ssyncadd.s32 $0xFFFFFF80  }
0x3c: {  	[tilespmem:s4], [sflag:$0x1] =	stream.linear.gather [hbm4b:s25+s4], $0x80, $0x38;
	[tilespmem:$0x400] =	vst v63  }
0x3d: {  	_ =	swait.ge [sflag:s19], $0x80  }
.Ltmp0:
0x3e: {  	[sflag:s19] =	ssyncset.done $0x0;
	(pc) =	sbr.rel @p0 .LBB2_2-.Ltmp0, $4  }
0x3f: {  	[sflag:s19] =	ssyncadd.s32 $0xFFFFFF80  }
0x40: {  	[spmem:s3] =	stream.indirect.scatter.add.f32 [tilespmem:s18], [sflag:$0x3], $0x1, s16, s16, $0xb8;
	[tilespmem:$0x400] =	vst v63  }
0x41: {  	_ =	swait.ge [sflag:s15], $0x80  }
0x42: {  	s23 =	sadd.s32 $0x100, s23;
	s25 =	smov.u32 s28;
	[sflag:s15] =	ssyncset.done $0x0  }
0x43: {  	s24 =	sadd.s32 s24, s13;
	[sflag:s15] =	ssyncadd.s32 $0xFFFFFF80  }
0x44: {  	[tilespmem:s16], [sflag:$0x2] =	stream.linear.gather [hbm4b:s24+s4], $0x80, $0x38;
	[tilespmem:$0x400] =	vst v63  }
0x45: {  	_ =	swait.ge [sflag:s17], $0x80  }
0x46: {  	[sflag:s17] =	ssyncset.done $0x0  }
0x47: {  	[sflag:s17] =	ssyncadd.s32 $0xFFFFFF80  }
0x48: {  	[spmem:s3] =	stream.indirect.scatter.add.f32 [tilespmem:s18], [sflag:$0x3], $0x1, s4, s16, $0xb8;
	[tilespmem:$0x400] =	vst v63  }
0x49: {  	_ =	swait.ge [sflag:s15], $0x80  }
0x4a: {  	s23 =	sshrl.u32 s23, $0x3;
	[sflag:s15] =	ssyncset.done $0x0  }
0x4b: {  	s23 =	sadd.s32 s2, s23;
	[sflag:s15] =	ssyncadd.s32 $0xFFFFFF80  }
0x4c: {  	[tilespmem:s4], [sflag:$0x1] =	stream.linear.gather [hbm4b:s23+s4], $0x80, $0x38;
	[tilespmem:$0x400] =	vst v63  }
0x4d: {  	_ =	swait.ge [sflag:s19], $0x80  }
0x4e: {  	[sflag:s19] =	ssyncset.done $0x0  }
0x4f: {  	[sflag:s19] =	ssyncadd.s32 $0xFFFFFF80  }
0x50: {  	[spmem:s3] =	stream.indirect.scatter.add.f32 [tilespmem:s18], [sflag:$0x3], $0x1, s16, s16, $0xb8;
	[tilespmem:$0x400] =	vst v63  }
0x51: {  	_ =	swait.ge [sflag:s15], $0x80  }
0x52: {  	[sflag:s15] =	ssyncset.done $0x0  }
0x53: {  	[sflag:s15] =	ssyncadd.s32 $0xFFFFFF80  }
0x54: {  	[tilespmem:s16], [sflag:$0x2] =	stream.linear.gather [hbm4b:s11+s4], $0x80, $0x38;
	[tilespmem:$0x400] =	vst v63  }
0x55: {  	_ =	swait.ge [sflag:s17], $0x80  }
0x56: {  	[sflag:s17] =	ssyncset.done $0x0  }
0x57: {  	[sflag:s17] =	ssyncadd.s32 $0xFFFFFF80  }
0x58: {  	[spmem:s3] =	stream.indirect.scatter.add.f32 [tilespmem:s18], [sflag:$0x3], $0x1, s4, s16, $0xb8;
	[tilespmem:$0x400] =	vst v63  }
0x59: {  	_ =	swait.ge [sflag:s15], $0x80  }
0x5a: {  	[sflag:s15] =	ssyncset.done $0x0  }
0x5b: {  	[sflag:s15] =	ssyncadd.s32 $0xFFFFFF80  }
0x5c: {  	_ =	swait.ge [sflag:s19], $0x80  }
0x5d: {  	[sflag:s19] =	ssyncset.done $0x0  }
0x5e: {  	[sflag:s19] =	ssyncadd.s32 $0xFFFFFF80  }
0x5f: {  	[spmem:s3] =	stream.indirect.scatter.add.f32 [tilespmem:s18], [sflag:$0x3], $0x1, s16, s16, $0xb8;
	[tilespmem:$0x400] =	vst v63  }
0x60: {  	_ =	swait.ge [sflag:s15], $0x80  }
0x61: {  	[sflag:s15] =	ssyncset.done $0x0  }
0x62: {  	[sflag:s15] =	ssyncadd.s32 $0xFFFFFF80  }
0x63: {  	[tilespmem:s4], [sflag:$0x1] =	stream.linear.gather [hbm4b:s8+s4], $0x80, $0x38;
	[tilespmem:$0x400] =	vst v63  }
0x64: {  	_ =	swait.ge [sflag:s17], $0x80  }
0x65: {  	[sflag:s17] =	ssyncset.done $0x0  }
0x66: {  	[sflag:s17] =	ssyncadd.s32 $0xFFFFFF80  }
0x67: {  	[spmem:s3] =	stream.indirect.scatter.add.f32 [tilespmem:s18], [sflag:$0x3], $0x1, s4, s16, $0xb8;
	[tilespmem:$0x400] =	vst v63  }
0x68: {  	_ =	swait.ge [sflag:s15], $0x80  }
0x69: {  	s22 =	sadd.s32 $0x1, s22;
	[sflag:s15] =	ssyncset.done $0x0  }
0x6a: {  	p0 =	sne.s32 s22, s10;
	[sflag:s15] =	ssyncadd.s32 $0xFFFFFF80  }
.Ltmp1:
0x6b: {  	[bflag:$0x0] =	sbarrier.arrive $0xFFFF;
	(pc) =	sbr.rel @p0 .LBB2_1-.Ltmp1, $4  }
0x6c: {  	[hbm:s9@s20], [sflag:s7] =	dma.strided [spmem:s14@s21], $0x50, s17, $0x10   }
0x6d: {  	_ =	swait.ge [sflag:s15], $0x50  }
0x6e: {  	[sflag:s15] =	ssyncset.done $0x0  }
0x6f: {  	[sflag:s15] =	ssyncadd.s32 $0xFFFFFFB0  }
0x70: {  	_ =	sfence.sel $0x180000  }
0x71: {  	[bflag:$0x0] =	sbarrier.arrive $0xFFFF  }
0x72: {  	p0 =	sne.s32 s1, $0x0;
	_ =	strace $0x90000047  }
0x73: {  	s0 =	sadd.s32 @!p0 $0x100000, s0;
	[bflag:$0x2] =	sbarrier.arrive $0xFFFF  }
0x74: {  	[sflag:s0] =	ssyncadd.tile.s32 @!p0 $0x1;
	_ =	shalt  }
.Lfunc_end2:
_tile_overlayer_lowered:
.L_overlay_start_2:
0x75: {  	(tag) =	ssettag $0x2  }
0x76: {  	s0 =	rddreg [dreg:$0x0];
	s2 =	stileid.u32  }
0x77: {  	s1 =	rddreg [dreg:$0x1];
	p0 =	sne.s32 s2, $0x0  }
0x78: {  	s3 =	rddreg [dreg:$0x2];
	[bflag:$0x3] =	sbarrier.arrive $0xFFFF;
	s2 =	simm.s32 @!p0 $0x1C03  }
0x79: {  	[timem:s3], [sflag:s2] =	dma.local @!p0 [hbm:s0], s1  }
0x7a: {  	s0 =	simm.s32 @!p0 $0x3  }
0x7b: {  	_ =	swait.ge @!p0 [sflag:s0], s1  }
0x7c: {  	s1 =	ssub.s32 @!p0 $0x0, s1;
	[sflag:s0] =	ssyncset.done @!p0 $0x0  }
0x7d: {  	[sflag:s0] =	ssyncadd.s32 @!p0 s1  }
0x7e: {  	[bflag:$0x3] =	sbarrier.arrive $0xFFFF  }
0x7f: {  	_ =	shalt  }

</sc_bundles>
